<compile_context>
chip_gen: v7x
topology: tpu7x:2x2x1
jax: 0.10.2.dev20260603
libtpu: 0.0.44.dev20260713+nightly
codegen_flags: <defaults>
</compile_context>

<pallas_src>
import functools
import math

import jax
import jax.numpy as jnp
from jax import lax
from jax.experimental import pallas as pl
from jax.experimental.pallas import tpu as pltpu
from jax.experimental.pallas import tpu_sc as plsc

T, D, E, K, FF = 2048, 768, 64, 2, 1536
RH = 2 * D
C = int(math.ceil(T * K / E * 1.25))
EC = E * C
TB = 256
SB = 512


def _gelu(v):
    return 0.5 * v * (1.0 + lax.erf(v * (1.0 / math.sqrt(2.0))))



def _router_body(x_ref, w1_ref, b1_ref, w2_ref, b2_ref,
                 i1_ref, i2_ref, g1_ref, g2_ref):
    xb = x_ref[...]
    rh = _gelu(jnp.dot(xb, w1_ref[...], preferred_element_type=jnp.float32)
               + b1_ref[...])
    logits = (jnp.dot(rh, w2_ref[...], preferred_element_type=jnp.float32)
              + b2_ref[...])
    iota = lax.broadcasted_iota(jnp.int32, (TB, E), 1)
    l1 = jnp.max(logits, axis=-1, keepdims=True)
    a1 = jnp.min(jnp.where(logits == l1, iota, E), axis=-1, keepdims=True)
    masked = jnp.where(iota == a1, -jnp.inf, logits)
    l2 = jnp.max(masked, axis=-1, keepdims=True)
    a2 = jnp.min(jnp.where(masked == l2, iota, E), axis=-1, keepdims=True)
    g1 = 1.0 / (1.0 + jnp.exp(l2 - l1))
    i1_ref[...] = a1
    i2_ref[...] = a2
    g1_ref[...] = g1
    g2_ref[...] = 1.0 - g1


def _router(x, rW1, rb1, rW2, rb2):
    n = T // TB
    out_shapes = (
        jax.ShapeDtypeStruct((T, 1), jnp.int32),
        jax.ShapeDtypeStruct((T, 1), jnp.int32),
        jax.ShapeDtypeStruct((T, 1), jnp.float32),
        jax.ShapeDtypeStruct((T, 1), jnp.float32),
    )
    return pl.pallas_call(
        _router_body,
        grid=(n,),
        in_specs=[
            pl.BlockSpec((TB, D), lambda i: (i, 0)),
            pl.BlockSpec((D, RH), lambda i: (0, 0)),
            pl.BlockSpec((RH,), lambda i: (0,)),
            pl.BlockSpec((RH, E), lambda i: (0, 0)),
            pl.BlockSpec((E,), lambda i: (0,)),
        ],
        out_specs=tuple(pl.BlockSpec((TB, 1), lambda i: (i, 0))
                        for _ in range(4)),
        out_shape=out_shapes,
    )(x, rW1, rb1, rW2, rb2)



def _pos_body(i1_ref, i2_ref, s1_ref, s2_ref):
    i1 = i1_ref[...]
    i2 = i2_ref[...]
    iota = lax.broadcasted_iota(jnp.int32, (T, E), 1)
    oh1 = (i1 == iota).astype(jnp.int32)
    oh2 = (i2 == iota).astype(jnp.int32)
    s = oh1 + oh2
    k = 1
    while k < T:
        s = s + jnp.concatenate(
            [jnp.zeros((k, E), jnp.int32), s[:T - k]], axis=0)
        k *= 2
    pos1 = jnp.sum(oh1 * (s - oh1 - oh2), axis=1, keepdims=True)
    pos2 = jnp.sum(oh2 * (s - oh2), axis=1, keepdims=True)
    s1 = jnp.where(pos1 < C, i1 * C + pos1, EC)
    s2 = jnp.where(pos2 < C, i2 * C + pos2, EC)
    s1_ref[...] = s1
    s2_ref[...] = s2


def _positions(i1, i2):
    return pl.pallas_call(
        _pos_body,
        out_shape=(jax.ShapeDtypeStruct((T, 1), jnp.int32),
                   jax.ShapeDtypeStruct((T, 1), jnp.int32)),
    )(i1, i2)



def _disp_body(s1_ref, s2_ref, g1_ref, g2_ref, tok_ref, gate_ref):
    base = pl.program_id(0) * SB
    lane = base + lax.broadcasted_iota(jnp.int32, (1, SB), 1)
    tokf = lax.broadcasted_iota(jnp.int32, (T, 1), 0).astype(jnp.float32)
    m1 = (s1_ref[...] == lane).astype(jnp.float32)
    m2 = (s2_ref[...] == lane).astype(jnp.float32)
    dn = (((0,), (0,)), ((), ()))
    toki = lax.broadcasted_iota(jnp.int32, (T, 1), 0)
    tok_hi = (toki >> 7).astype(jnp.float32)
    tok_lo = (toki & 127).astype(jnp.float32)
    m12 = m1 + m2
    hi = lax.dot_general(m12, tok_hi, dn, preferred_element_type=jnp.float32)
    lo = lax.dot_general(m12, tok_lo, dn, preferred_element_type=jnp.float32)
    gate = (lax.dot_general(m1, g1_ref[...], dn,
                            preferred_element_type=jnp.float32)
            + lax.dot_general(m2, g2_ref[...], dn,
                              preferred_element_type=jnp.float32))
    tok_ref[...] = (hi.astype(jnp.int32) << 7) | lo.astype(jnp.int32)
    gate_ref[...] = gate


def _disp_table(s1, s2, g1, g2):
    full = pl.BlockSpec((T, 1), lambda i: (0, 0))
    return pl.pallas_call(
        _disp_body,
        grid=(EC // SB,),
        in_specs=[full, full, full, full],
        out_specs=(pl.BlockSpec((SB, 1), lambda i: (i, 0)),
                   pl.BlockSpec((SB, 1), lambda i: (i, 0))),
        out_shape=(jax.ShapeDtypeStruct((EC, 1), jnp.int32),
                   jax.ShapeDtypeStruct((EC, 1), jnp.float32)),
    )(s1, s2, g1, g2)


_NW = 32


def _sc_gather_xe(x, disp_tok):
    mesh = plsc.VectorSubcoreMesh(core_axis_name="c", subcore_axis_name="s")

    @functools.partial(
        pl.kernel, mesh=mesh,
        out_type=jax.ShapeDtypeStruct((EC, D), jnp.float32),
        scratch_types=[
            pltpu.VMEM((80,), jnp.int32),
            pltpu.VMEM((80,), jnp.int32),
            pltpu.VMEM((80, D), jnp.float32),
            pltpu.VMEM((80, D), jnp.float32),
            pltpu.SemaphoreType.DMA,
            pltpu.SemaphoreType.DMA,
        ],
    )
    def k(x_hbm, idx_hbm, xe_hbm, idx0_v, idx1_v, rows0, rows1, sem0, sem1):
        wid = lax.axis_index("s") * 2 + lax.axis_index("c")
        pltpu.sync_copy(idx_hbm.at[pl.ds(wid * 160, 80)], idx0_v)
        pltpu.sync_copy(idx_hbm.at[pl.ds(wid * 160 + 80, 80)], idx1_v)
        c0 = pltpu.async_copy(x_hbm.at[idx0_v], rows0, sem0)
        c1 = pltpu.async_copy(x_hbm.at[idx1_v], rows1, sem1)
        c0.wait()
        pltpu.sync_copy(rows0, xe_hbm.at[pl.ds(wid * 160, 80)])
        c1.wait()
        pltpu.sync_copy(rows1, xe_hbm.at[pl.ds(wid * 160 + 80, 80)])

    return k(x, disp_tok)


def _sc_combine_gather(ye, s1, s2):
    tpw = T // _NW
    mesh = plsc.VectorSubcoreMesh(core_axis_name="c", subcore_axis_name="s")

    @functools.partial(
        pl.kernel, mesh=mesh,
        out_type=(jax.ShapeDtypeStruct((T, D), jnp.float32),
                  jax.ShapeDtypeStruct((T, D), jnp.float32)),
        scratch_types=[
            pltpu.VMEM((tpw,), jnp.int32),
            pltpu.VMEM((tpw,), jnp.int32),
            pltpu.VMEM((tpw, D), jnp.float32),
            pltpu.VMEM((tpw, D), jnp.float32),
            pltpu.SemaphoreType.DMA,
            pltpu.SemaphoreType.DMA,
            pltpu.SemaphoreType.DMA,
            pltpu.SemaphoreType.DMA,
        ],
    )
    def k(ye_hbm, s1_hbm, s2_hbm, r1_hbm, r2_hbm,
          i1_v, i2_v, bufa, bufb, sg0, sg1, sw0, sw1):
        wid = lax.axis_index("s") * 2 + lax.axis_index("c")
        base = wid * tpw
        pltpu.sync_copy(s1_hbm.at[pl.ds(base, tpw)], i1_v)
        pltpu.sync_copy(s2_hbm.at[pl.ds(base, tpw)], i2_v)
        g0 = pltpu.async_copy(ye_hbm.at[i1_v], bufa, sg0)
        g1 = pltpu.async_copy(ye_hbm.at[i2_v], bufb, sg1)
        g0.wait()
        w0 = pltpu.async_copy(bufa, r1_hbm.at[pl.ds(base, tpw)], sw0)
        g1.wait()
        w1 = pltpu.async_copy(bufb, r2_hbm.at[pl.ds(base, tpw)], sw1)
        w0.wait()
        w1.wait()

    return k(ye, s1, s2)


def _add_body(a_ref, b_ref, o_ref):
    o_ref[...] = a_ref[...] + b_ref[...]


def _add(a, b):
    return pl.pallas_call(
        _add_body,
        grid=(T // TB,),
        in_specs=[pl.BlockSpec((TB, D), lambda i: (i, 0)),
                  pl.BlockSpec((TB, D), lambda i: (i, 0))],
        out_specs=pl.BlockSpec((TB, D), lambda i: (i, 0)),
        out_shape=jax.ShapeDtypeStruct((T, D), jnp.float32),
    )(a, b)



def _ffn_body(xe_ref, w1_ref, b1_ref, w2_ref, b2_ref, gate_ref, ye_ref):
    e = pl.program_id(0)

    @pl.when(e < E)
    def _():
        xb = xe_ref[...]
        h = _gelu(jnp.dot(xb, w1_ref[0], preferred_element_type=jnp.float32)
                  + b1_ref[0])
        y = (jnp.dot(h, w2_ref[0], preferred_element_type=jnp.float32)
             + b2_ref[0])
        ye_ref[...] = y * gate_ref[...]

    @pl.when(e >= E)
    def _():
        ye_ref[...] = jnp.zeros((C, D), jnp.float32)


def _ffn(xe, eW1, eb1, eW2, eb2, disp_gate):
    wi = lambda e: (jnp.minimum(e, E - 1), 0, 0)
    return pl.pallas_call(
        _ffn_body,
        grid=(E + 1,),
        in_specs=[
            pl.BlockSpec((C, D), lambda e: (jnp.minimum(e, E - 1), 0)),
            pl.BlockSpec((1, D, FF), wi),
            pl.BlockSpec((1, 1, FF), wi),
            pl.BlockSpec((1, FF, D), wi),
            pl.BlockSpec((1, 1, D), wi),
            pl.BlockSpec((C, 1), lambda e: (jnp.minimum(e, E - 1), 0)),
        ],
        out_specs=pl.BlockSpec((C, D), lambda e: (e, 0)),
        out_shape=jax.ShapeDtypeStruct((EC + C, D), jnp.float32),
        compiler_params=pltpu.CompilerParams(
            dimension_semantics=("arbitrary",),
        ),
    )(xe, eW1, eb1.reshape(E, 1, FF), eW2, eb2.reshape(E, 1, D),
      disp_gate)



def kernel(x, rW1, rb1, rW2, rb2, eW1, eb1, eW2, eb2):
    i1, i2, g1, g2 = _router(x, rW1, rb1, rW2, rb2)
    s1, s2 = _positions(i1, i2)
    disp_tok, disp_gate = _disp_table(s1, s2, g1, g2)
    xe = _sc_gather_xe(x, disp_tok.reshape(EC))
    ye = _ffn(xe, eW1, eb1, eW2, eb2, disp_gate)
    r1, r2 = _sc_combine_gather(ye, s1.reshape(T), s2.reshape(T))
    return _add(r1, r2)

# --- scband reference (transcript-rebuilt; emitter-appended) ---
"""Pipeline reference for scband-mo-de-di-t-16071767622268 (READ-ONLY COPY).

The authoritative reference and input builder live on the scoring server;
editing this copy changes nothing except your own understanding.
"""

import jax, jax.numpy as jnp
import numpy as np
import math

T, D, E, K, FF = 2048, 768, 64, 2, 1536
RH = 2 * D  # router MLP hidden per RouterCond._create_router
TEMP = 1.0


def setup_inputs(seed: int = 0) -> dict:
    key = jax.random.key(seed)
    ks = jax.random.split(key, 10)
    x = jax.random.normal(ks[0], (T, D), dtype=jnp.float32)
    rW1 = jax.random.normal(ks[1], (D, RH), dtype=jnp.float32) * 0.02
    rb1 = jnp.zeros((RH,), dtype=jnp.float32)
    rW2 = jax.random.normal(ks[2], (RH, E), dtype=jnp.float32) * 0.02
    rb2 = jnp.zeros((E,), dtype=jnp.float32)
    eW1 = jax.random.normal(ks[3], (E, D, FF), dtype=jnp.float32) * 0.02
    eb1 = jnp.zeros((E, FF), dtype=jnp.float32)
    eW2 = jax.random.normal(ks[4], (E, FF, D), dtype=jnp.float32) * 0.02
    eb2 = jnp.zeros((E, D), dtype=jnp.float32)
    return {"x": x, "rW1": rW1, "rb1": rb1, "rW2": rW2, "rb2": rb2,
            "eW1": eW1, "eb1": eb1, "eW2": eW2, "eb2": eb2}


def reference(x, rW1, rb1, rW2, rb2, eW1, eb1, eW2, eb2):
    Tn, Dn = x.shape
    En = eW1.shape[0]
    # RouterCond: Mlp(in=D, hidden=2*D, out=E) with GELU, then softmax w/ temperature
    rh = jax.nn.gelu(x @ rW1 + rb1, approximate=False)
    logits = rh @ rW2 + rb2
    probs = jax.nn.softmax(logits / TEMP, axis=-1)
    # top-k expert selection, normalized gates (normalize=True)
    gate_vals, exp_idx = jax.lax.top_k(probs, K)
    gate_vals = gate_vals / jnp.sum(gate_vals, axis=-1, keepdims=True)
    flat_exp = exp_idx.reshape(-1)            # [T*K]
    flat_gate = gate_vals.reshape(-1)         # [T*K]
    flat_tok = jnp.repeat(jnp.arange(Tn), K)  # [T*K]
    # position within expert via cumsum over one-hot assignments
    onehot = jax.nn.one_hot(flat_exp, En, dtype=jnp.int32)
    pos = jnp.cumsum(onehot, axis=0) - 1
    pos = jnp.sum(pos * onehot, axis=1)
    C = int(math.ceil(Tn * K / En * 1.25))  # capacity factor 1.25
    keep = pos < C
    slot = jnp.where(keep, flat_exp * C + pos, En * C)  # out-of-range -> dropped
    disp_tok = jnp.zeros((En * C,), dtype=jnp.int32).at[slot].set(flat_tok, mode='drop')
    disp_gate = jnp.zeros((En * C,), dtype=x.dtype).at[slot].set(flat_gate, mode='drop')
    # gather tokens to experts (all-to-all dispatch)
    xe = jnp.take(x, disp_tok, axis=0).reshape(En, C, Dn)
    h = jax.nn.gelu(jnp.einsum('ecd,edf->ecf', xe, eW1) + eb1[:, None, :], approximate=False)
    ye = jnp.einsum('ecf,efd->ecd', h, eW2) + eb2[:, None, :]
    ye = ye.reshape(En * C, Dn) * disp_gate[:, None]
    # scatter-add combine back to token order
    out = jnp.zeros((Tn, Dn), dtype=x.dtype).at[disp_tok].add(ye)
    return out

if __name__ == "__main__":
    import jax
    _d = setup_inputs()
    print(jax.jit(kernel)(*tuple(_d.values())))

</pallas_src>

<mosaic_0001>
#map = affine_map<(d0, d1) -> (0, 0)>
#map1 = affine_map<(d0, d1) -> (0)>
module attributes {stable_mosaic.version = 14 : i64} {
  func.func @k(%arg0: i32, %arg1: i32, %arg2: memref<5200x768xf32, #tpu.memory_space<hbm>>, %arg3: memref<2048xi32, #tpu.memory_space<hbm>>, %arg4: memref<2048xi32, #tpu.memory_space<hbm>>, %arg5: memref<2048x768xf32, #tpu.memory_space<hbm>>, %arg6: memref<2048x768xf32, #tpu.memory_space<hbm>>, %arg7: memref<64xi32, #tpu.memory_space<vmem>>, %arg8: memref<64xi32, #tpu.memory_space<vmem>>, %arg9: memref<64x768xf32, #tpu.memory_space<vmem>>, %arg10: memref<64x768xf32, #tpu.memory_space<vmem>>, %arg11: memref<!tpu.dma_semaphore, #tpu.memory_space<semaphore_mem>>, %arg12: memref<!tpu.dma_semaphore, #tpu.memory_space<semaphore_mem>>, %arg13: memref<!tpu.dma_semaphore, #tpu.memory_space<semaphore_mem>>, %arg14: memref<!tpu.dma_semaphore, #tpu.memory_space<semaphore_mem>>) attributes {dimension_semantics = [#tpu.dimension_semantics<core_parallel>, #tpu.dimension_semantics<subcore_parallel>], iteration_bounds = array<i64: 2, 16>, scalar_prefetch = 0 : i64, scratch_operands = 8 : i64, tpu.core_type = #tpu.core_type<sc_vector_subcore>, window_params = [{transform_indices = #map}, {transform_indices = #map1}, {transform_indices = #map1}, {transform_indices = #map}, {transform_indices = #map}]} {
    %mul3A = arith.constant 2 : i32
    %mul3A_0 = arith.muli %arg1, %mul3A : i32
    %add3A = arith.addi %mul3A_0, %arg0 : i32
    %mul3A_1 = arith.constant 64 : i32
    %mul3A_2 = arith.muli %add3A, %mul3A_1 : i32
    "tpu.region"() ({
      %run_scoped3A = tpu.sem_alloc : memref<!tpu.dma_semaphore, #tpu.memory_space<semaphore_mem>>
      %dma_start3A_29 = tpu.memref_slice %arg3[%mul3A_2] : memref<2048xi32, #tpu.memory_space<hbm>> -> memref<64xi32, #tpu.memory_space<hbm>>
      %dma_start3A_30 = tpu.memref_slice %arg3[%mul3A_2] : memref<2048xi32, #tpu.memory_space<hbm>> -> memref<64xi32, #tpu.memory_space<hbm>>
      tpu.enqueue_dma source(%dma_start3A_30 : memref<64xi32, #tpu.memory_space<hbm>>) target(%arg7 : memref<64xi32, #tpu.memory_space<vmem>>) target_semaphore(%run_scoped3A : memref<!tpu.dma_semaphore, #tpu.memory_space<semaphore_mem>>)
      %dma_wait3A_31 = tpu.memref_slice %arg3[%mul3A_2] : memref<2048xi32, #tpu.memory_space<hbm>> -> memref<64xi32, #tpu.memory_space<hbm>>
      %dma_wait3A_32 = tpu.memref_slice %arg3[%mul3A_2] : memref<2048xi32, #tpu.memory_space<hbm>> -> memref<64xi32, #tpu.memory_space<hbm>>
      tpu.wait_dma2 semaphore(%run_scoped3A : memref<!tpu.dma_semaphore, #tpu.memory_space<semaphore_mem>>) src(%dma_wait3A_32 : memref<64xi32, #tpu.memory_space<hbm>>) dst(%arg7 : memref<64xi32, #tpu.memory_space<vmem>>)
      tpu.yield
    }) : () -> ()
    "tpu.region"() ({
      %run_scoped3A = tpu.sem_alloc : memref<!tpu.dma_semaphore, #tpu.memory_space<semaphore_mem>>
      %dma_start3A_29 = tpu.memref_slice %arg4[%mul3A_2] : memref<2048xi32, #tpu.memory_space<hbm>> -> memref<64xi32, #tpu.memory_space<hbm>>
      %dma_start3A_30 = tpu.memref_slice %arg4[%mul3A_2] : memref<2048xi32, #tpu.memory_space<hbm>> -> memref<64xi32, #tpu.memory_space<hbm>>
      tpu.enqueue_dma source(%dma_start3A_30 : memref<64xi32, #tpu.memory_space<hbm>>) target(%arg8 : memref<64xi32, #tpu.memory_space<vmem>>) target_semaphore(%run_scoped3A : memref<!tpu.dma_semaphore, #tpu.memory_space<semaphore_mem>>)
      %dma_wait3A_31 = tpu.memref_slice %arg4[%mul3A_2] : memref<2048xi32, #tpu.memory_space<hbm>> -> memref<64xi32, #tpu.memory_space<hbm>>
      %dma_wait3A_32 = tpu.memref_slice %arg4[%mul3A_2] : memref<2048xi32, #tpu.memory_space<hbm>> -> memref<64xi32, #tpu.memory_space<hbm>>
      tpu.wait_dma2 semaphore(%run_scoped3A : memref<!tpu.dma_semaphore, #tpu.memory_space<semaphore_mem>>) src(%dma_wait3A_32 : memref<64xi32, #tpu.memory_space<hbm>>) dst(%arg8 : memref<64xi32, #tpu.memory_space<vmem>>)
      tpu.yield
    }) : () -> ()
    %dma_start3A = arith.constant 0 : i32
    %dma_start3A_3 = arith.constant 0 : i32
    %dma_start3A_4 = tpu.memref_slice %arg2[%dma_start3A, %dma_start3A_3] : memref<5200x768xf32, #tpu.memory_space<hbm>> -> memref<5200x768xf32, #tpu.memory_space<hbm>>
    tpu.enqueue_indirect_dma source(%dma_start3A_4 : memref<5200x768xf32, #tpu.memory_space<hbm>>) target(%arg9 : memref<64x768xf32, #tpu.memory_space<vmem>>) offsets(%arg7 : memref<64xi32, #tpu.memory_space<vmem>>) semaphore(%arg11 : memref<!tpu.dma_semaphore, #tpu.memory_space<semaphore_mem>>)
    %dma_start3A_5 = arith.constant 0 : i32
    %dma_start3A_6 = arith.constant 0 : i32
    %dma_start3A_7 = tpu.memref_slice %arg2[%dma_start3A_5, %dma_start3A_6] : memref<5200x768xf32, #tpu.memory_space<hbm>> -> memref<5200x768xf32, #tpu.memory_space<hbm>>
    tpu.enqueue_indirect_dma source(%dma_start3A_7 : memref<5200x768xf32, #tpu.memory_space<hbm>>) target(%arg10 : memref<64x768xf32, #tpu.memory_space<vmem>>) offsets(%arg8 : memref<64xi32, #tpu.memory_space<vmem>>) semaphore(%arg12 : memref<!tpu.dma_semaphore, #tpu.memory_space<semaphore_mem>>)
    %dma_wait3A = arith.constant 0 : i32
    %dma_wait3A_8 = arith.constant 0 : i32
    %dma_wait3A_9 = tpu.memref_slice %arg2[%dma_wait3A, %dma_wait3A_8] : memref<5200x768xf32, #tpu.memory_space<hbm>> -> memref<5200x768xf32, #tpu.memory_space<hbm>>
    tpu.wait_indirect_dma semaphore(%arg11 : memref<!tpu.dma_semaphore, #tpu.memory_space<semaphore_mem>>) src(%dma_wait3A_9 : memref<5200x768xf32, #tpu.memory_space<hbm>>) dst(%arg9 : memref<64x768xf32, #tpu.memory_space<vmem>>)
    %dma_start3A_10 = arith.constant 0 : i32
    %dma_start3A_11 = tpu.memref_slice %arg5[%mul3A_2, %dma_start3A_10] : memref<2048x768xf32, #tpu.memory_space<hbm>> -> memref<64x768xf32, #tpu.memory_space<hbm>>
    %dma_start3A_12 = arith.constant 0 : i32
    %dma_start3A_13 = tpu.memref_slice %arg5[%mul3A_2, %dma_start3A_12] : memref<2048x768xf32, #tpu.memory_space<hbm>> -> memref<64x768xf32, #tpu.memory_space<hbm>>
    tpu.enqueue_dma source(%arg9 : memref<64x768xf32, #tpu.memory_space<vmem>>) target(%dma_start3A_13 : memref<64x768xf32, #tpu.memory_space<hbm>>) target_semaphore(%arg13 : memref<!tpu.dma_semaphore, #tpu.memory_space<semaphore_mem>>)
    %dma_wait3A_14 = arith.constant 0 : i32
    %dma_wait3A_15 = arith.constant 0 : i32
    %dma_wait3A_16 = tpu.memref_slice %arg2[%dma_wait3A_14, %dma_wait3A_15] : memref<5200x768xf32, #tpu.memory_space<hbm>> -> memref<5200x768xf32, #tpu.memory_space<hbm>>
    tpu.wait_indirect_dma semaphore(%arg12 : memref<!tpu.dma_semaphore, #tpu.memory_space<semaphore_mem>>) src(%dma_wait3A_16 : memref<5200x768xf32, #tpu.memory_space<hbm>>) dst(%arg10 : memref<64x768xf32, #tpu.memory_space<vmem>>)
    %dma_start3A_17 = arith.constant 0 : i32
    %dma_start3A_18 = tpu.memref_slice %arg6[%mul3A_2, %dma_start3A_17] : memref<2048x768xf32, #tpu.memory_space<hbm>> -> memref<64x768xf32, #tpu.memory_space<hbm>>
    %dma_start3A_19 = arith.constant 0 : i32
    %dma_start3A_20 = tpu.memref_slice %arg6[%mul3A_2, %dma_start3A_19] : memref<2048x768xf32, #tpu.memory_space<hbm>> -> memref<64x768xf32, #tpu.memory_space<hbm>>
    tpu.enqueue_dma source(%arg10 : memref<64x768xf32, #tpu.memory_space<vmem>>) target(%dma_start3A_20 : memref<64x768xf32, #tpu.memory_space<hbm>>) target_semaphore(%arg14 : memref<!tpu.dma_semaphore, #tpu.memory_space<semaphore_mem>>)
    %dma_wait3A_21 = arith.constant 0 : i32
    %dma_wait3A_22 = tpu.memref_slice %arg5[%mul3A_2, %dma_wait3A_21] : memref<2048x768xf32, #tpu.memory_space<hbm>> -> memref<64x768xf32, #tpu.memory_space<hbm>>
    %dma_wait3A_23 = arith.constant 0 : i32
    %dma_wait3A_24 = tpu.memref_slice %arg5[%mul3A_2, %dma_wait3A_23] : memref<2048x768xf32, #tpu.memory_space<hbm>> -> memref<64x768xf32, #tpu.memory_space<hbm>>
    tpu.wait_dma2 semaphore(%arg13 : memref<!tpu.dma_semaphore, #tpu.memory_space<semaphore_mem>>) src(%arg9 : memref<64x768xf32, #tpu.memory_space<vmem>>) dst(%dma_wait3A_24 : memref<64x768xf32, #tpu.memory_space<hbm>>)
    %dma_wait3A_25 = arith.constant 0 : i32
    %dma_wait3A_26 = tpu.memref_slice %arg6[%mul3A_2, %dma_wait3A_25] : memref<2048x768xf32, #tpu.memory_space<hbm>> -> memref<64x768xf32, #tpu.memory_space<hbm>>
    %dma_wait3A_27 = arith.constant 0 : i32
    %dma_wait3A_28 = tpu.memref_slice %arg6[%mul3A_2, %dma_wait3A_27] : memref<2048x768xf32, #tpu.memory_space<hbm>> -> memref<64x768xf32, #tpu.memory_space<hbm>>
    tpu.wait_dma2 semaphore(%arg14 : memref<!tpu.dma_semaphore, #tpu.memory_space<semaphore_mem>>) src(%arg10 : memref<64x768xf32, #tpu.memory_space<vmem>>) dst(%dma_wait3A_28 : memref<64x768xf32, #tpu.memory_space<hbm>>)
    return
  }
}

#map = affine_map<(d0, d1) -> (0, 0)>
#map1 = affine_map<(d0, d1) -> (0)>
module attributes {stable_mosaic.version = 14 : i64} {
  func.func @k(%arg0: i32, %arg1: i32, %arg2: memref<2048x768xf32, #tpu.memory_space<hbm>>, %arg3: memref<5120xi32, #tpu.memory_space<hbm>>, %arg4: memref<5120x768xf32, #tpu.memory_space<hbm>>, %arg5: memref<80xi32, #tpu.memory_space<vmem>>, %arg6: memref<80xi32, #tpu.memory_space<vmem>>, %arg7: memref<80x768xf32, #tpu.memory_space<vmem>>, %arg8: memref<80x768xf32, #tpu.memory_space<vmem>>, %arg9: memref<!tpu.dma_semaphore, #tpu.memory_space<semaphore_mem>>, %arg10: memref<!tpu.dma_semaphore, #tpu.memory_space<semaphore_mem>>) attributes {dimension_semantics = [#tpu.dimension_semantics<core_parallel>, #tpu.dimension_semantics<subcore_parallel>], iteration_bounds = array<i64: 2, 16>, scalar_prefetch = 0 : i64, scratch_operands = 6 : i64, tpu.core_type = #tpu.core_type<sc_vector_subcore>, window_params = [{transform_indices = #map}, {transform_indices = #map1}, {transform_indices = #map}]} {
    %mul3A = arith.constant 2 : i32
    %mul3A_0 = arith.muli %arg1, %mul3A : i32
    %add3A = arith.addi %mul3A_0, %arg0 : i32
    %mul3A_1 = arith.constant 160 : i32
    %mul3A_2 = arith.muli %add3A, %mul3A_1 : i32
    "tpu.region"() ({
      %run_scoped3A = tpu.sem_alloc : memref<!tpu.dma_semaphore, #tpu.memory_space<semaphore_mem>>
      %dma_start3A_23 = tpu.memref_slice %arg3[%mul3A_2] : memref<5120xi32, #tpu.memory_space<hbm>> -> memref<80xi32, #tpu.memory_space<hbm>>
      %dma_start3A_24 = tpu.memref_slice %arg3[%mul3A_2] : memref<5120xi32, #tpu.memory_space<hbm>> -> memref<80xi32, #tpu.memory_space<hbm>>
      tpu.enqueue_dma source(%dma_start3A_24 : memref<80xi32, #tpu.memory_space<hbm>>) target(%arg5 : memref<80xi32, #tpu.memory_space<vmem>>) target_semaphore(%run_scoped3A : memref<!tpu.dma_semaphore, #tpu.memory_space<semaphore_mem>>)
      %dma_wait3A_25 = tpu.memref_slice %arg3[%mul3A_2] : memref<5120xi32, #tpu.memory_space<hbm>> -> memref<80xi32, #tpu.memory_space<hbm>>
      %dma_wait3A_26 = tpu.memref_slice %arg3[%mul3A_2] : memref<5120xi32, #tpu.memory_space<hbm>> -> memref<80xi32, #tpu.memory_space<hbm>>
      tpu.wait_dma2 semaphore(%run_scoped3A : memref<!tpu.dma_semaphore, #tpu.memory_space<semaphore_mem>>) src(%dma_wait3A_26 : memref<80xi32, #tpu.memory_space<hbm>>) dst(%arg5 : memref<80xi32, #tpu.memory_space<vmem>>)
      tpu.yield
    }) : () -> ()
    %mul3A_3 = arith.constant 160 : i32
    %mul3A_4 = arith.muli %add3A, %mul3A_3 : i32
    %add3A_5 = arith.constant 80 : i32
    %add3A_6 = arith.addi %mul3A_4, %add3A_5 : i32
    "tpu.region"() ({
      %run_scoped3A = tpu.sem_alloc : memref<!tpu.dma_semaphore, #tpu.memory_space<semaphore_mem>>
      %dma_start3A_23 = tpu.memref_slice %arg3[%add3A_6] : memref<5120xi32, #tpu.memory_space<hbm>> -> memref<80xi32, #tpu.memory_space<hbm>>
      %dma_start3A_24 = tpu.memref_slice %arg3[%add3A_6] : memref<5120xi32, #tpu.memory_space<hbm>> -> memref<80xi32, #tpu.memory_space<hbm>>
      tpu.enqueue_dma source(%dma_start3A_24 : memref<80xi32, #tpu.memory_space<hbm>>) target(%arg6 : memref<80xi32, #tpu.memory_space<vmem>>) target_semaphore(%run_scoped3A : memref<!tpu.dma_semaphore, #tpu.memory_space<semaphore_mem>>)
      %dma_wait3A_25 = tpu.memref_slice %arg3[%add3A_6] : memref<5120xi32, #tpu.memory_space<hbm>> -> memref<80xi32, #tpu.memory_space<hbm>>
      %dma_wait3A_26 = tpu.memref_slice %arg3[%add3A_6] : memref<5120xi32, #tpu.memory_space<hbm>> -> memref<80xi32, #tpu.memory_space<hbm>>
      tpu.wait_dma2 semaphore(%run_scoped3A : memref<!tpu.dma_semaphore, #tpu.memory_space<semaphore_mem>>) src(%dma_wait3A_26 : memref<80xi32, #tpu.memory_space<hbm>>) dst(%arg6 : memref<80xi32, #tpu.memory_space<vmem>>)
      tpu.yield
    }) : () -> ()
    %dma_start3A = arith.constant 0 : i32
    %dma_start3A_7 = arith.constant 0 : i32
    %dma_start3A_8 = tpu.memref_slice %arg2[%dma_start3A, %dma_start3A_7] : memref<2048x768xf32, #tpu.memory_space<hbm>> -> memref<2048x768xf32, #tpu.memory_space<hbm>>
    tpu.enqueue_indirect_dma source(%dma_start3A_8 : memref<2048x768xf32, #tpu.memory_space<hbm>>) target(%arg7 : memref<80x768xf32, #tpu.memory_space<vmem>>) offsets(%arg5 : memref<80xi32, #tpu.memory_space<vmem>>) semaphore(%arg9 : memref<!tpu.dma_semaphore, #tpu.memory_space<semaphore_mem>>)
    %dma_start3A_9 = arith.constant 0 : i32
    %dma_start3A_10 = arith.constant 0 : i32
    %dma_start3A_11 = tpu.memref_slice %arg2[%dma_start3A_9, %dma_start3A_10] : memref<2048x768xf32, #tpu.memory_space<hbm>> -> memref<2048x768xf32, #tpu.memory_space<hbm>>
    tpu.enqueue_indirect_dma source(%dma_start3A_11 : memref<2048x768xf32, #tpu.memory_space<hbm>>) target(%arg8 : memref<80x768xf32, #tpu.memory_space<vmem>>) offsets(%arg6 : memref<80xi32, #tpu.memory_space<vmem>>) semaphore(%arg10 : memref<!tpu.dma_semaphore, #tpu.memory_space<semaphore_mem>>)
    %dma_wait3A = arith.constant 0 : i32
    %dma_wait3A_12 = arith.constant 0 : i32
    %dma_wait3A_13 = tpu.memref_slice %arg2[%dma_wait3A, %dma_wait3A_12] : memref<2048x768xf32, #tpu.memory_space<hbm>> -> memref<2048x768xf32, #tpu.memory_space<hbm>>
    tpu.wait_indirect_dma semaphore(%arg9 : memref<!tpu.dma_semaphore, #tpu.memory_space<semaphore_mem>>) src(%dma_wait3A_13 : memref<2048x768xf32, #tpu.memory_space<hbm>>) dst(%arg7 : memref<80x768xf32, #tpu.memory_space<vmem>>)
    %mul3A_14 = arith.constant 160 : i32
    %mul3A_15 = arith.muli %add3A, %mul3A_14 : i32
    "tpu.region"() ({
      %run_scoped3A = tpu.sem_alloc : memref<!tpu.dma_semaphore, #tpu.memory_space<semaphore_mem>>
      %dma_start3A_23 = arith.constant 0 : i32
      %dma_start3A_24 = tpu.memref_slice %arg4[%mul3A_15, %dma_start3A_23] : memref<5120x768xf32, #tpu.memory_space<hbm>> -> memref<80x768xf32, #tpu.memory_space<hbm>>
      %dma_start3A_25 = arith.constant 0 : i32
      %dma_start3A_26 = tpu.memref_slice %arg4[%mul3A_15, %dma_start3A_25] : memref<5120x768xf32, #tpu.memory_space<hbm>> -> memref<80x768xf32, #tpu.memory_space<hbm>>
      tpu.enqueue_dma source(%arg7 : memref<80x768xf32, #tpu.memory_space<vmem>>) target(%dma_start3A_26 : memref<80x768xf32, #tpu.memory_space<hbm>>) target_semaphore(%run_scoped3A : memref<!tpu.dma_semaphore, #tpu.memory_space<semaphore_mem>>)
      %dma_wait3A_27 = arith.constant 0 : i32
      %dma_wait3A_28 = tpu.memref_slice %arg4[%mul3A_15, %dma_wait3A_27] : memref<5120x768xf32, #tpu.memory_space<hbm>> -> memref<80x768xf32, #tpu.memory_space<hbm>>
      %dma_wait3A_29 = arith.constant 0 : i32
      %dma_wait3A_30 = tpu.memref_slice %arg4[%mul3A_15, %dma_wait3A_29] : memref<5120x768xf32, #tpu.memory_space<hbm>> -> memref<80x768xf32, #tpu.memory_space<hbm>>
      tpu.wait_dma2 semaphore(%run_scoped3A : memref<!tpu.dma_semaphore, #tpu.memory_space<semaphore_mem>>) src(%arg7 : memref<80x768xf32, #tpu.memory_space<vmem>>) dst(%dma_wait3A_30 : memref<80x768xf32, #tpu.memory_space<hbm>>)
      tpu.yield
    }) : () -> ()
    %dma_wait3A_16 = arith.constant 0 : i32
    %dma_wait3A_17 = arith.constant 0 : i32
    %dma_wait3A_18 = tpu.memref_slice %arg2[%dma_wait3A_16, %dma_wait3A_17] : memref<2048x768xf32, #tpu.memory_space<hbm>> -> memref<2048x768xf32, #tpu.memory_space<hbm>>
    tpu.wait_indirect_dma semaphore(%arg10 : memref<!tpu.dma_semaphore, #tpu.memory_space<semaphore_mem>>) src(%dma_wait3A_18 : memref<2048x768xf32, #tpu.memory_space<hbm>>) dst(%arg8 : memref<80x768xf32, #tpu.memory_space<vmem>>)
    %mul3A_19 = arith.constant 160 : i32
    %mul3A_20 = arith.muli %add3A, %mul3A_19 : i32
    %add3A_21 = arith.constant 80 : i32
    %add3A_22 = arith.addi %mul3A_20, %add3A_21 : i32
    "tpu.region"() ({
      %run_scoped3A = tpu.sem_alloc : memref<!tpu.dma_semaphore, #tpu.memory_space<semaphore_mem>>
      %dma_start3A_23 = arith.constant 0 : i32
      %dma_start3A_24 = tpu.memref_slice %arg4[%add3A_22, %dma_start3A_23] : memref<5120x768xf32, #tpu.memory_space<hbm>> -> memref<80x768xf32, #tpu.memory_space<hbm>>
      %dma_start3A_25 = arith.constant 0 : i32
      %dma_start3A_26 = tpu.memref_slice %arg4[%add3A_22, %dma_start3A_25] : memref<5120x768xf32, #tpu.memory_space<hbm>> -> memref<80x768xf32, #tpu.memory_space<hbm>>
      tpu.enqueue_dma source(%arg8 : memref<80x768xf32, #tpu.memory_space<vmem>>) target(%dma_start3A_26 : memref<80x768xf32, #tpu.memory_space<hbm>>) target_semaphore(%run_scoped3A : memref<!tpu.dma_semaphore, #tpu.memory_space<semaphore_mem>>)
      %dma_wait3A_27 = arith.constant 0 : i32
      %dma_wait3A_28 = tpu.memref_slice %arg4[%add3A_22, %dma_wait3A_27] : memref<5120x768xf32, #tpu.memory_space<hbm>> -> memref<80x768xf32, #tpu.memory_space<hbm>>
      %dma_wait3A_29 = arith.constant 0 : i32
      %dma_wait3A_30 = tpu.memref_slice %arg4[%add3A_22, %dma_wait3A_29] : memref<5120x768xf32, #tpu.memory_space<hbm>> -> memref<80x768xf32, #tpu.memory_space<hbm>>
      tpu.wait_dma2 semaphore(%run_scoped3A : memref<!tpu.dma_semaphore, #tpu.memory_space<semaphore_mem>>) src(%arg8 : memref<80x768xf32, #tpu.memory_space<vmem>>) dst(%dma_wait3A_30 : memref<80x768xf32, #tpu.memory_space<hbm>>)
      tpu.yield
    }) : () -> ()
    return
  }
}

module attributes {stable_mosaic.version = 14 : i64} {
  func.func @_pos_body(%arg0: memref<2048x1xi32, #tpu.memory_space<vmem>>, %arg1: memref<2048x1xi32, #tpu.memory_space<vmem>>, %arg2: memref<2048x1xi32, #tpu.memory_space<vmem>>, %arg3: memref<2048x1xi32, #tpu.memory_space<vmem>>) attributes {dimension_semantics = [], scalar_prefetch = 0 : i64, scratch_operands = 0 : i64, tpu.core_type = #tpu.core_type<tc>} {
    %get3A = arith.constant 0 : index
    %get3A_0 = arith.constant 0 : index
    %get3A_1 = vector.load %arg0[%get3A, %get3A_0] : memref<2048x1xi32, #tpu.memory_space<vmem>>, vector<2048x1xi32>
    %get3A_2 = arith.constant 0 : index
    %get3A_3 = arith.constant 0 : index
    %get3A_4 = vector.load %arg1[%get3A_2, %get3A_3] : memref<2048x1xi32, #tpu.memory_space<vmem>>, vector<2048x1xi32>
    %iota3A = tpu.iota {dimensions = array<i32: 1>} : vector<2048x64xi32>
    %eq3A = vector.broadcast %get3A_1 : vector<2048x1xi32> to vector<2048x64xi32>
    %eq3A_5 = arith.cmpi eq, %eq3A, %iota3A : vector<2048x64xi32>
    %convert_element_type3A = arith.extui %eq3A_5 : vector<2048x64xi1> to vector<2048x64xi32>
    %eq3A_6 = vector.broadcast %get3A_4 : vector<2048x1xi32> to vector<2048x64xi32>
    %eq3A_7 = arith.cmpi eq, %eq3A_6, %iota3A : vector<2048x64xi32>
    %convert_element_type3A_8 = arith.extui %eq3A_7 : vector<2048x64xi1> to vector<2048x64xi32>
    %add3A = arith.addi %convert_element_type3A, %convert_element_type3A_8 : vector<2048x64xi32>
    %broadcast_in_dim3A = arith.constant 0 : i32
    %broadcast_in_dim3A_9 = vector.broadcast %broadcast_in_dim3A : i32 to vector<1x64xi32>
    %slice3A = vector.extract_strided_slice %add3A {offsets = [0, 0], sizes = [2047, 64], strides = [1, 1]} : vector<2048x64xi32> to vector<2047x64xi32>
    %concatenate3A = tpu.concatenate %broadcast_in_dim3A_9, %slice3A in 0 : vector<1x64xi32>, vector<2047x64xi32> -> vector<2048x64xi32>
    %add3A_10 = arith.addi %add3A, %concatenate3A : vector<2048x64xi32>
    %broadcast_in_dim3A_11 = arith.constant 0 : i32
    %broadcast_in_dim3A_12 = vector.broadcast %broadcast_in_dim3A_11 : i32 to vector<2x64xi32>
    %slice3A_13 = vector.extract_strided_slice %add3A_10 {offsets = [0, 0], sizes = [2046, 64], strides = [1, 1]} : vector<2048x64xi32> to vector<2046x64xi32>
    %concatenate3A_14 = tpu.concatenate %broadcast_in_dim3A_12, %slice3A_13 in 0 : vector<2x64xi32>, vector<2046x64xi32> -> vector<2048x64xi32>
    %add3A_15 = arith.addi %add3A_10, %concatenate3A_14 : vector<2048x64xi32>
    %broadcast_in_dim3A_16 = arith.constant 0 : i32
    %broadcast_in_dim3A_17 = vector.broadcast %broadcast_in_dim3A_16 : i32 to vector<4x64xi32>
    %slice3A_18 = vector.extract_strided_slice %add3A_15 {offsets = [0, 0], sizes = [2044, 64], strides = [1, 1]} : vector<2048x64xi32> to vector<2044x64xi32>
    %concatenate3A_19 = tpu.concatenate %broadcast_in_dim3A_17, %slice3A_18 in 0 : vector<4x64xi32>, vector<2044x64xi32> -> vector<2048x64xi32>
    %add3A_20 = arith.addi %add3A_15, %concatenate3A_19 : vector<2048x64xi32>
    %broadcast_in_dim3A_21 = arith.constant 0 : i32
    %broadcast_in_dim3A_22 = vector.broadcast %broadcast_in_dim3A_21 : i32 to vector<8x64xi32>
    %slice3A_23 = vector.extract_strided_slice %add3A_20 {offsets = [0, 0], sizes = [2040, 64], strides = [1, 1]} : vector<2048x64xi32> to vector<2040x64xi32>
    %concatenate3A_24 = tpu.concatenate %broadcast_in_dim3A_22, %slice3A_23 in 0 : vector<8x64xi32>, vector<2040x64xi32> -> vector<2048x64xi32>
    %add3A_25 = arith.addi %add3A_20, %concatenate3A_24 : vector<2048x64xi32>
    %broadcast_in_dim3A_26 = arith.constant 0 : i32
    %broadcast_in_dim3A_27 = vector.broadcast %broadcast_in_dim3A_26 : i32 to vector<16x64xi32>
    %slice3A_28 = vector.extract_strided_slice %add3A_25 {offsets = [0, 0], sizes = [2032, 64], strides = [1, 1]} : vector<2048x64xi32> to vector<2032x64xi32>
    %concatenate3A_29 = tpu.concatenate %broadcast_in_dim3A_27, %slice3A_28 in 0 : vector<16x64xi32>, vector<2032x64xi32> -> vector<2048x64xi32>
    %add3A_30 = arith.addi %add3A_25, %concatenate3A_29 : vector<2048x64xi32>
    %broadcast_in_dim3A_31 = arith.constant 0 : i32
    %broadcast_in_dim3A_32 = vector.broadcast %broadcast_in_dim3A_31 : i32 to vector<32x64xi32>
    %slice3A_33 = vector.extract_strided_slice %add3A_30 {offsets = [0, 0], sizes = [2016, 64], strides = [1, 1]} : vector<2048x64xi32> to vector<2016x64xi32>
    %concatenate3A_34 = tpu.concatenate %broadcast_in_dim3A_32, %slice3A_33 in 0 : vector<32x64xi32>, vector<2016x64xi32> -> vector<2048x64xi32>
    %add3A_35 = arith.addi %add3A_30, %concatenate3A_34 : vector<2048x64xi32>
    %broadcast_in_dim3A_36 = arith.constant 0 : i32
    %broadcast_in_dim3A_37 = vector.broadcast %broadcast_in_dim3A_36 : i32 to vector<64x64xi32>
    %slice3A_38 = vector.extract_strided_slice %add3A_35 {offsets = [0, 0], sizes = [1984, 64], strides = [1, 1]} : vector<2048x64xi32> to vector<1984x64xi32>
    %concatenate3A_39 = tpu.concatenate %broadcast_in_dim3A_37, %slice3A_38 in 0 : vector<64x64xi32>, vector<1984x64xi32> -> vector<2048x64xi32>
    %add3A_40 = arith.addi %add3A_35, %concatenate3A_39 : vector<2048x64xi32>
    %broadcast_in_dim3A_41 = arith.constant 0 : i32
    %broadcast_in_dim3A_42 = vector.broadcast %broadcast_in_dim3A_41 : i32 to vector<128x64xi32>
    %slice3A_43 = vector.extract_strided_slice %add3A_40 {offsets = [0, 0], sizes = [1920, 64], strides = [1, 1]} : vector<2048x64xi32> to vector<1920x64xi32>
    %concatenate3A_44 = tpu.concatenate %broadcast_in_dim3A_42, %slice3A_43 in 0 : vector<128x64xi32>, vector<1920x64xi32> -> vector<2048x64xi32>
    %add3A_45 = arith.addi %add3A_40, %concatenate3A_44 : vector<2048x64xi32>
    %broadcast_in_dim3A_46 = arith.constant 0 : i32
    %broadcast_in_dim3A_47 = vector.broadcast %broadcast_in_dim3A_46 : i32 to vector<256x64xi32>
    %slice3A_48 = vector.extract_strided_slice %add3A_45 {offsets = [0, 0], sizes = [1792, 64], strides = [1, 1]} : vector<2048x64xi32> to vector<1792x64xi32>
    %concatenate3A_49 = tpu.concatenate %broadcast_in_dim3A_47, %slice3A_48 in 0 : vector<256x64xi32>, vector<1792x64xi32> -> vector<2048x64xi32>
    %add3A_50 = arith.addi %add3A_45, %concatenate3A_49 : vector<2048x64xi32>
    %broadcast_in_dim3A_51 = arith.constant 0 : i32
    %broadcast_in_dim3A_52 = vector.broadcast %broadcast_in_dim3A_51 : i32 to vector<512x64xi32>
    %slice3A_53 = vector.extract_strided_slice %add3A_50 {offsets = [0, 0], sizes = [1536, 64], strides = [1, 1]} : vector<2048x64xi32> to vector<1536x64xi32>
    %concatenate3A_54 = tpu.concatenate %broadcast_in_dim3A_52, %slice3A_53 in 0 : vector<512x64xi32>, vector<1536x64xi32> -> vector<2048x64xi32>
    %add3A_55 = arith.addi %add3A_50, %concatenate3A_54 : vector<2048x64xi32>
    %broadcast_in_dim3A_56 = arith.constant 0 : i32
    %broadcast_in_dim3A_57 = vector.broadcast %broadcast_in_dim3A_56 : i32 to vector<1024x64xi32>
    %slice3A_58 = vector.extract_strided_slice %add3A_55 {offsets = [0, 0], sizes = [1024, 64], strides = [1, 1]} : vector<2048x64xi32> to vector<1024x64xi32>
    %concatenate3A_59 = tpu.concatenate %broadcast_in_dim3A_57, %slice3A_58 in 0 : vector<1024x64xi32>, vector<1024x64xi32> -> vector<2048x64xi32>
    %add3A_60 = arith.addi %add3A_55, %concatenate3A_59 : vector<2048x64xi32>
    %sub3A = arith.subi %add3A_60, %convert_element_type3A : vector<2048x64xi32>
    %sub3A_61 = arith.subi %sub3A, %convert_element_type3A_8 : vector<2048x64xi32>
    %mul3A = arith.muli %convert_element_type3A, %sub3A_61 : vector<2048x64xi32>
    %reduce_sum3A = arith.constant dense<0> : vector<2048xi32>
    %reduce_sum3A_62 = vector.multi_reduction <add>, %mul3A, %reduce_sum3A [1] : vector<2048x64xi32> to vector<2048xi32>
    %broadcast_in_dim3A_63 = vector.shape_cast %reduce_sum3A_62 : vector<2048xi32> to vector<2048x1xi32>
    %sub3A_64 = arith.subi %add3A_60, %convert_element_type3A_8 : vector<2048x64xi32>
    %mul3A_65 = arith.muli %convert_element_type3A_8, %sub3A_64 : vector<2048x64xi32>
    %reduce_sum3A_66 = arith.constant dense<0> : vector<2048xi32>
    %reduce_sum3A_67 = vector.multi_reduction <add>, %mul3A_65, %reduce_sum3A_66 [1] : vector<2048x64xi32> to vector<2048xi32>
    %broadcast_in_dim3A_68 = vector.shape_cast %reduce_sum3A_67 : vector<2048xi32> to vector<2048x1xi32>
    %lt3A = arith.constant 80 : i32
    %lt3A_69 = vector.broadcast %lt3A : i32 to vector<2048x1xi32>
    %lt3A_70 = arith.cmpi slt, %broadcast_in_dim3A_63, %lt3A_69 : vector<2048x1xi32>
    %mul3A_71 = arith.constant 80 : i32
    %mul3A_72 = vector.broadcast %mul3A_71 : i32 to vector<2048x1xi32>
    %mul3A_73 = arith.muli %get3A_1, %mul3A_72 : vector<2048x1xi32>
    %add3A_74 = arith.addi %mul3A_73, %broadcast_in_dim3A_63 : vector<2048x1xi32>
    %jit3A = arith.constant 5120 : i32
    %broadcast_in_dim3A_75 = vector.broadcast %jit3A : i32 to vector<2048x1xi32>
    %select_n3A = arith.select %lt3A_70, %add3A_74, %broadcast_in_dim3A_75 : vector<2048x1xi1>, vector<2048x1xi32>
    %lt3A_76 = arith.constant 80 : i32
    %lt3A_77 = vector.broadcast %lt3A_76 : i32 to vector<2048x1xi32>
    %lt3A_78 = arith.cmpi slt, %broadcast_in_dim3A_68, %lt3A_77 : vector<2048x1xi32>
    %mul3A_79 = arith.constant 80 : i32
    %mul3A_80 = vector.broadcast %mul3A_79 : i32 to vector<2048x1xi32>
    %mul3A_81 = arith.muli %get3A_4, %mul3A_80 : vector<2048x1xi32>
    %add3A_82 = arith.addi %mul3A_81, %broadcast_in_dim3A_68 : vector<2048x1xi32>
    %jit3A_83 = arith.constant 5120 : i32
    %broadcast_in_dim3A_84 = vector.broadcast %jit3A_83 : i32 to vector<2048x1xi32>
    %select_n3A_85 = arith.select %lt3A_78, %add3A_82, %broadcast_in_dim3A_84 : vector<2048x1xi1>, vector<2048x1xi32>
    %swap3A = arith.constant 0 : index
    %swap3A_86 = arith.constant 0 : index
    %swap3A_87 = vector.load %arg2[%swap3A, %swap3A_86] : memref<2048x1xi32, #tpu.memory_space<vmem>>, vector<2048x1xi32>
    tpu.vector_store %arg2[%swap3A, %swap3A_86], %select_n3A {strides = array<i32>} : memref<2048x1xi32, #tpu.memory_space<vmem>>, vector<2048x1xi32>,
    %swap3A_88 = arith.constant 0 : index
    %swap3A_89 = arith.constant 0 : index
    %swap3A_90 = vector.load %arg3[%swap3A_88, %swap3A_89] : memref<2048x1xi32, #tpu.memory_space<vmem>>, vector<2048x1xi32>
    tpu.vector_store %arg3[%swap3A_88, %swap3A_89], %select_n3A_85 {strides = array<i32>} : memref<2048x1xi32, #tpu.memory_space<vmem>>, vector<2048x1xi32>,
    return
  }
}

module attributes {stable_mosaic.version = 14 : i64} {
  func.func @_router_body(%arg0: i32, %arg1: memref<256x768xf32, #tpu.memory_space<vmem>>, %arg2: memref<768x1536xf32, #tpu.memory_space<vmem>>, %arg3: memref<1536xf32, #tpu.memory_space<vmem>>, %arg4: memref<1536x64xf32, #tpu.memory_space<vmem>>, %arg5: memref<64xf32, #tpu.memory_space<vmem>>, %arg6: memref<256x1xi32, #tpu.memory_space<vmem>>, %arg7: memref<256x1xi32, #tpu.memory_space<vmem>>, %arg8: memref<256x1xf32, #tpu.memory_space<vmem>>, %arg9: memref<256x1xf32, #tpu.memory_space<vmem>>) attributes {dimension_semantics = [#tpu.dimension_semantics<arbitrary>], iteration_bounds = array<i64: 8>, scalar_prefetch = 0 : i64, scratch_operands = 0 : i64, tpu.core_type = #tpu.core_type<tc>, window_params = [{transform_indices = @transform_0, window_bounds = array<i64: 256, 768>}, {pipeline_mode = #tpu.pipeline_mode<synchronous>, transform_indices = @transform_1, window_bounds = array<i64: 768, 1536>}, {pipeline_mode = #tpu.pipeline_mode<synchronous>, transform_indices = @transform_2, window_bounds = array<i64: 1536>}, {pipeline_mode = #tpu.pipeline_mode<synchronous>, transform_indices = @transform_3, window_bounds = array<i64: 1536, 64>}, {pipeline_mode = #tpu.pipeline_mode<synchronous>, transform_indices = @transform_4, window_bounds = array<i64: 64>}, {transform_indices = @transform_5, window_bounds = array<i64: 256, 1>}, {transform_indices = @transform_6, window_bounds = array<i64: 256, 1>}, {transform_indices = @transform_7, window_bounds = array<i64: 256, 1>}, {transform_indices = @transform_8, window_bounds = array<i64: 256, 1>}]} {
    %get3A = arith.constant 0 : index
    %get3A_0 = arith.constant 0 : index
    %get3A_1 = vector.load %arg1[%get3A, %get3A_0] : memref<256x768xf32, #tpu.memory_space<vmem>>, vector<256x768xf32>
    %get3A_2 = arith.constant 0 : index
    %get3A_3 = arith.constant 0 : index
    %get3A_4 = vector.load %arg2[%get3A_2, %get3A_3] : memref<768x1536xf32, #tpu.memory_space<vmem>>, vector<768x1536xf32>
    %dot_general3A = arith.constant dense<0.000000e+00> : vector<256x1536xf32>
    %dot_general3A_5 = tpu.matmul %get3A_1, %get3A_4, %dot_general3A {dimension_numbers = #tpu.dot_dimension_numbers<[1], [0], [0], [1], [0, 0, 1, 1], [], []>, transpose_lhs_hint = false} : vector<256x768xf32>, vector<768x1536xf32>, vector<256x1536xf32> -> vector<256x1536xf32>
    %get3A_6 = arith.constant 0 : index
    %get3A_7 = vector.load %arg3[%get3A_6] : memref<1536xf32, #tpu.memory_space<vmem>>, vector<1536xf32>
    %broadcast_in_dim3A = vector.shape_cast %get3A_7 : vector<1536xf32> to vector<1x1536xf32>
    %add3A = vector.broadcast %broadcast_in_dim3A : vector<1x1536xf32> to vector<256x1536xf32>
    %add3A_8 = arith.addf %dot_general3A_5, %add3A : vector<256x1536xf32>
    %mul3A = arith.constant 5.000000e-01 : f32
    %mul3A_9 = vector.broadcast %mul3A : f32 to vector<256x1536xf32>
    %mul3A_10 = arith.mulf %mul3A_9, %add3A_8 : vector<256x1536xf32>
    %mul3A_11 = arith.constant 0.707106769 : f32
    %mul3A_12 = vector.broadcast %mul3A_11 : f32 to vector<256x1536xf32>
    %mul3A_13 = arith.mulf %add3A_8, %mul3A_12 : vector<256x1536xf32>
    %erf3A = math.erf %mul3A_13 : vector<256x1536xf32>
    %add3A_14 = arith.constant 1.000000e+00 : f32
    %add3A_15 = vector.broadcast %add3A_14 : f32 to vector<256x1536xf32>
    %add3A_16 = arith.addf %add3A_15, %erf3A : vector<256x1536xf32>
    %mul3A_17 = arith.mulf %mul3A_10, %add3A_16 : vector<256x1536xf32>
    %get3A_18 = arith.constant 0 : index
    %get3A_19 = arith.constant 0 : index
    %get3A_20 = vector.load %arg4[%get3A_18, %get3A_19] : memref<1536x64xf32, #tpu.memory_space<vmem>>, vector<1536x64xf32>
    %dot_general3A_21 = arith.constant dense<0.000000e+00> : vector<256x64xf32>
    %dot_general3A_22 = tpu.matmul %mul3A_17, %get3A_20, %dot_general3A_21 {dimension_numbers = #tpu.dot_dimension_numbers<[1], [0], [0], [1], [0, 0, 1, 1], [], []>, transpose_lhs_hint = false} : vector<256x1536xf32>, vector<1536x64xf32>, vector<256x64xf32> -> vector<256x64xf32>
    %get3A_23 = arith.constant 0 : index
    %get3A_24 = vector.load %arg5[%get3A_23] : memref<64xf32, #tpu.memory_space<vmem>>, vector<64xf32>
    %broadcast_in_dim3A_25 = vector.shape_cast %get3A_24 : vector<64xf32> to vector<1x64xf32>
    %add3A_26 = vector.broadcast %broadcast_in_dim3A_25 : vector<1x64xf32> to vector<256x64xf32>
    %add3A_27 = arith.addf %dot_general3A_22, %add3A_26 : vector<256x64xf32>
    %iota3A = tpu.iota {dimensions = array<i32: 1>} : vector<256x64xi32>
    %reduce_max3A = arith.constant dense<0xFF800000> : vector<256xf32>
    %reduce_max3A_28 = vector.multi_reduction <maximumf>, %add3A_27, %reduce_max3A [1] : vector<256x64xf32> to vector<256xf32>
    %broadcast_in_dim3A_29 = vector.shape_cast %reduce_max3A_28 : vector<256xf32> to vector<256x1xf32>
    %eq3A = vector.broadcast %broadcast_in_dim3A_29 : vector<256x1xf32> to vector<256x64xf32>
    %eq3A_30 = arith.cmpf oeq, %add3A_27, %eq3A : vector<256x64xf32>
    %jit3A = arith.constant 64 : i32
    %broadcast_in_dim3A_31 = vector.broadcast %jit3A : i32 to vector<256x64xi32>
    %select_n3A = arith.select %eq3A_30, %iota3A, %broadcast_in_dim3A_31 : vector<256x64xi1>, vector<256x64xi32>
    %reduce_min3A = arith.constant dense<2147483647> : vector<256xi32>
    %reduce_min3A_32 = vector.multi_reduction <minsi>, %select_n3A, %reduce_min3A [1] : vector<256x64xi32> to vector<256xi32>
    %broadcast_in_dim3A_33 = vector.shape_cast %reduce_min3A_32 : vector<256xi32> to vector<256x1xi32>
    %eq3A_34 = vector.broadcast %broadcast_in_dim3A_33 : vector<256x1xi32> to vector<256x64xi32>
    %eq3A_35 = arith.cmpi eq, %iota3A, %eq3A_34 : vector<256x64xi32>
    %jit3A_36 = arith.constant 0xFF800000 : f32
    %broadcast_in_dim3A_37 = vector.broadcast %jit3A_36 : f32 to vector<256x64xf32>
    %select_n3A_38 = arith.select %eq3A_35, %broadcast_in_dim3A_37, %add3A_27 : vector<256x64xi1>, vector<256x64xf32>
    %reduce_max3A_39 = arith.constant dense<0xFF800000> : vector<256xf32>
    %reduce_max3A_40 = vector.multi_reduction <maximumf>, %select_n3A_38, %reduce_max3A_39 [1] : vector<256x64xf32> to vector<256xf32>
    %broadcast_in_dim3A_41 = vector.shape_cast %reduce_max3A_40 : vector<256xf32> to vector<256x1xf32>
    %eq3A_42 = vector.broadcast %broadcast_in_dim3A_41 : vector<256x1xf32> to vector<256x64xf32>
    %eq3A_43 = arith.cmpf oeq, %select_n3A_38, %eq3A_42 : vector<256x64xf32>
    %jit3A_44 = arith.constant 64 : i32
    %broadcast_in_dim3A_45 = vector.broadcast %jit3A_44 : i32 to vector<256x64xi32>
    %select_n3A_46 = arith.select %eq3A_43, %iota3A, %broadcast_in_dim3A_45 : vector<256x64xi1>, vector<256x64xi32>
    %reduce_min3A_47 = arith.constant dense<2147483647> : vector<256xi32>
    %reduce_min3A_48 = vector.multi_reduction <minsi>, %select_n3A_46, %reduce_min3A_47 [1] : vector<256x64xi32> to vector<256xi32>
    %broadcast_in_dim3A_49 = vector.shape_cast %reduce_min3A_48 : vector<256xi32> to vector<256x1xi32>
    %sub3A = arith.subf %broadcast_in_dim3A_41, %broadcast_in_dim3A_29 : vector<256x1xf32>
    %exp3A = math.exp %sub3A : vector<256x1xf32>
    %add3A_50 = arith.constant 1.000000e+00 : f32
    %add3A_51 = vector.broadcast %add3A_50 : f32 to vector<256x1xf32>
    %add3A_52 = arith.addf %add3A_51, %exp3A : vector<256x1xf32>
    %div3A = arith.constant 1.000000e+00 : f32
    %div3A_53 = vector.broadcast %div3A : f32 to vector<256x1xf32>
    %div3A_54 = arith.divf %div3A_53, %add3A_52 : vector<256x1xf32>
    %swap3A = arith.constant 0 : index
    %swap3A_55 = arith.constant 0 : index
    %swap3A_56 = vector.load %arg6[%swap3A, %swap3A_55] : memref<256x1xi32, #tpu.memory_space<vmem>>, vector<256x1xi32>
    tpu.vector_store %arg6[%swap3A, %swap3A_55], %broadcast_in_dim3A_33 {strides = array<i32>} : memref<256x1xi32, #tpu.memory_space<vmem>>, vector<256x1xi32>,
    %swap3A_57 = arith.constant 0 : index
    %swap3A_58 = arith.constant 0 : index
    %swap3A_59 = vector.load %arg7[%swap3A_57, %swap3A_58] : memref<256x1xi32, #tpu.memory_space<vmem>>, vector<256x1xi32>
    tpu.vector_store %arg7[%swap3A_57, %swap3A_58], %broadcast_in_dim3A_49 {strides = array<i32>} : memref<256x1xi32, #tpu.memory_space<vmem>>, vector<256x1xi32>,
    %swap3A_60 = arith.constant 0 : index
    %swap3A_61 = arith.constant 0 : index
    %swap3A_62 = vector.load %arg8[%swap3A_60, %swap3A_61] : memref<256x1xf32, #tpu.memory_space<vmem>>, vector<256x1xf32>
    tpu.vector_store %arg8[%swap3A_60, %swap3A_61], %div3A_54 {strides = array<i32>} : memref<256x1xf32, #tpu.memory_space<vmem>>, vector<256x1xf32>,
    %sub3A_63 = arith.constant 1.000000e+00 : f32
    %sub3A_64 = vector.broadcast %sub3A_63 : f32 to vector<256x1xf32>
    %sub3A_65 = arith.subf %sub3A_64, %div3A_54 : vector<256x1xf32>
    %swap3A_66 = arith.constant 0 : index
    %swap3A_67 = arith.constant 0 : index
    %swap3A_68 = vector.load %arg9[%swap3A_66, %swap3A_67] : memref<256x1xf32, #tpu.memory_space<vmem>>, vector<256x1xf32>
    tpu.vector_store %arg9[%swap3A_66, %swap3A_67], %sub3A_65 {strides = array<i32>} : memref<256x1xf32, #tpu.memory_space<vmem>>, vector<256x1xf32>,
    return
  }
  func.func @transform_0(%arg0: i32) -> (i32, i32) {
    %c0_i32 = arith.constant 0 : i32
    %c0_i32_0 = arith.constant 0 : i32
    return %arg0, %c0_i32 : i32, i32
  }
  func.func @transform_1(%arg0: i32) -> (i32, i32) {
    %c0_i32 = arith.constant 0 : i32
    %c0_i32_0 = arith.constant 0 : i32
    %c0_i32_1 = arith.constant 0 : i32
    return %c0_i32, %c0_i32_0 : i32, i32
  }
  func.func @transform_2(%arg0: i32) -> i32 {
    %c0_i32 = arith.constant 0 : i32
    %c0_i32_0 = arith.constant 0 : i32
    return %c0_i32 : i32
  }
  func.func @transform_3(%arg0: i32) -> (i32, i32) {
    %c0_i32 = arith.constant 0 : i32
    %c0_i32_0 = arith.constant 0 : i32
    %c0_i32_1 = arith.constant 0 : i32
    return %c0_i32, %c0_i32_0 : i32, i32
  }
  func.func @transform_4(%arg0: i32) -> i32 {
    %c0_i32 = arith.constant 0 : i32
    %c0_i32_0 = arith.constant 0 : i32
    return %c0_i32 : i32
  }
  func.func @transform_5(%arg0: i32) -> (i32, i32) {
    %c0_i32 = arith.constant 0 : i32
    %c0_i32_0 = arith.constant 0 : i32
    return %arg0, %c0_i32 : i32, i32
  }
  func.func @transform_6(%arg0: i32) -> (i32, i32) {
    %c0_i32 = arith.constant 0 : i32
    %c0_i32_0 = arith.constant 0 : i32
    return %arg0, %c0_i32 : i32, i32
  }
  func.func @transform_7(%arg0: i32) -> (i32, i32) {
    %c0_i32 = arith.constant 0 : i32
    %c0_i32_0 = arith.constant 0 : i32
    return %arg0, %c0_i32 : i32, i32
  }
  func.func @transform_8(%arg0: i32) -> (i32, i32) {
    %c0_i32 = arith.constant 0 : i32
    %c0_i32_0 = arith.constant 0 : i32
    return %arg0, %c0_i32 : i32, i32
  }
}

module attributes {stable_mosaic.version = 14 : i64} {
  func.func @_disp_body(%arg0: i32, %arg1: memref<2048x1xi32, #tpu.memory_space<vmem>>, %arg2: memref<2048x1xi32, #tpu.memory_space<vmem>>, %arg3: memref<2048x1xf32, #tpu.memory_space<vmem>>, %arg4: memref<2048x1xf32, #tpu.memory_space<vmem>>, %arg5: memref<512x1xi32, #tpu.memory_space<vmem>>, %arg6: memref<512x1xf32, #tpu.memory_space<vmem>>) attributes {dimension_semantics = [#tpu.dimension_semantics<arbitrary>], iteration_bounds = array<i64: 10>, scalar_prefetch = 0 : i64, scratch_operands = 0 : i64, tpu.core_type = #tpu.core_type<tc>, window_params = [{pipeline_mode = #tpu.pipeline_mode<synchronous>, transform_indices = @transform_0, window_bounds = array<i64: 2048, 1>}, {pipeline_mode = #tpu.pipeline_mode<synchronous>, transform_indices = @transform_1, window_bounds = array<i64: 2048, 1>}, {pipeline_mode = #tpu.pipeline_mode<synchronous>, transform_indices = @transform_2, window_bounds = array<i64: 2048, 1>}, {pipeline_mode = #tpu.pipeline_mode<synchronous>, transform_indices = @transform_3, window_bounds = array<i64: 2048, 1>}, {transform_indices = @transform_4, window_bounds = array<i64: 512, 1>}, {transform_indices = @transform_5, window_bounds = array<i64: 512, 1>}]} {
    %mul3A = arith.constant 512 : i32
    %mul3A_0 = arith.muli %arg0, %mul3A : i32
    %iota3A = tpu.iota {dimensions = array<i32: 1>} : vector<1x512xi32>
    %add3A = vector.broadcast %mul3A_0 : i32 to vector<1x512xi32>
    %add3A_1 = arith.addi %add3A, %iota3A : vector<1x512xi32>
    %get3A = arith.constant 0 : index
    %get3A_2 = arith.constant 0 : index
    %get3A_3 = vector.load %arg1[%get3A, %get3A_2] : memref<2048x1xi32, #tpu.memory_space<vmem>>, vector<2048x1xi32>
    %eq3A = vector.broadcast %get3A_3 : vector<2048x1xi32> to vector<2048x512xi32>
    %eq3A_4 = vector.broadcast %add3A_1 : vector<1x512xi32> to vector<2048x512xi32>
    %eq3A_5 = arith.cmpi eq, %eq3A, %eq3A_4 : vector<2048x512xi32>
    %convert_element_type3A = arith.extui %eq3A_5 : vector<2048x512xi1> to vector<2048x512xi32>
    %convert_element_type3A_6 = arith.sitofp %convert_element_type3A : vector<2048x512xi32> to vector<2048x512xf32>
    %get3A_7 = arith.constant 0 : index
    %get3A_8 = arith.constant 0 : index
    %get3A_9 = vector.load %arg2[%get3A_7, %get3A_8] : memref<2048x1xi32, #tpu.memory_space<vmem>>, vector<2048x1xi32>
    %eq3A_10 = vector.broadcast %get3A_9 : vector<2048x1xi32> to vector<2048x512xi32>
    %eq3A_11 = vector.broadcast %add3A_1 : vector<1x512xi32> to vector<2048x512xi32>
    %eq3A_12 = arith.cmpi eq, %eq3A_10, %eq3A_11 : vector<2048x512xi32>
    %convert_element_type3A_13 = arith.extui %eq3A_12 : vector<2048x512xi1> to vector<2048x512xi32>
    %convert_element_type3A_14 = arith.sitofp %convert_element_type3A_13 : vector<2048x512xi32> to vector<2048x512xf32>
    %iota3A_15 = tpu.iota {dimensions = array<i32: 0>} : vector<2048x1xi32>
    %shift_right_arithmetic3A = arith.constant 7 : i32
    %shift_right_arithmetic3A_16 = vector.broadcast %shift_right_arithmetic3A : i32 to vector<2048x1xi32>
    %shift_right_arithmetic3A_17 = arith.shrsi %iota3A_15, %shift_right_arithmetic3A_16 : vector<2048x1xi32>
    %convert_element_type3A_18 = arith.sitofp %shift_right_arithmetic3A_17 : vector<2048x1xi32> to vector<2048x1xf32>
    %and3A = arith.constant 127 : i32
    %and3A_19 = vector.broadcast %and3A : i32 to vector<2048x1xi32>
    %and3A_20 = arith.andi %iota3A_15, %and3A_19 : vector<2048x1xi32>
    %convert_element_type3A_21 = arith.sitofp %and3A_20 : vector<2048x1xi32> to vector<2048x1xf32>
    %add3A_22 = arith.addf %convert_element_type3A_6, %convert_element_type3A_14 : vector<2048x512xf32>
    %dot_general3A = arith.constant dense<0.000000e+00> : vector<512x1xf32>
    %dot_general3A_23 = tpu.matmul %add3A_22, %convert_element_type3A_18, %dot_general3A {dimension_numbers = #tpu.dot_dimension_numbers<[0], [0], [1], [1], [0, 1, 1, 1], [], []>, transpose_lhs_hint = false} : vector<2048x512xf32>, vector<2048x1xf32>, vector<512x1xf32> -> vector<512x1xf32>
    %dot_general3A_24 = arith.constant dense<0.000000e+00> : vector<512x1xf32>
    %dot_general3A_25 = tpu.matmul %add3A_22, %convert_element_type3A_21, %dot_general3A_24 {dimension_numbers = #tpu.dot_dimension_numbers<[0], [0], [1], [1], [0, 1, 1, 1], [], []>, transpose_lhs_hint = false} : vector<2048x512xf32>, vector<2048x1xf32>, vector<512x1xf32> -> vector<512x1xf32>
    %get3A_26 = arith.constant 0 : index
    %get3A_27 = arith.constant 0 : index
    %get3A_28 = vector.load %arg3[%get3A_26, %get3A_27] : memref<2048x1xf32, #tpu.memory_space<vmem>>, vector<2048x1xf32>
    %dot_general3A_29 = arith.constant dense<0.000000e+00> : vector<512x1xf32>
    %dot_general3A_30 = tpu.matmul %convert_element_type3A_6, %get3A_28, %dot_general3A_29 {dimension_numbers = #tpu.dot_dimension_numbers<[0], [0], [1], [1], [0, 1, 1, 1], [], []>, transpose_lhs_hint = false} : vector<2048x512xf32>, vector<2048x1xf32>, vector<512x1xf32> -> vector<512x1xf32>
    %get3A_31 = arith.constant 0 : index
    %get3A_32 = arith.constant 0 : index
    %get3A_33 = vector.load %arg4[%get3A_31, %get3A_32] : memref<2048x1xf32, #tpu.memory_space<vmem>>, vector<2048x1xf32>
    %dot_general3A_34 = arith.constant dense<0.000000e+00> : vector<512x1xf32>
    %dot_general3A_35 = tpu.matmul %convert_element_type3A_14, %get3A_33, %dot_general3A_34 {dimension_numbers = #tpu.dot_dimension_numbers<[0], [0], [1], [1], [0, 1, 1, 1], [], []>, transpose_lhs_hint = false} : vector<2048x512xf32>, vector<2048x1xf32>, vector<512x1xf32> -> vector<512x1xf32>
    %add3A_36 = arith.addf %dot_general3A_30, %dot_general3A_35 : vector<512x1xf32>
    %convert_element_type3A_37 = arith.fptosi %dot_general3A_23 : vector<512x1xf32> to vector<512x1xi32>
    %shift_left3A = arith.constant 7 : i32
    %shift_left3A_38 = vector.broadcast %shift_left3A : i32 to vector<512x1xi32>
    %shift_left3A_39 = arith.shli %convert_element_type3A_37, %shift_left3A_38 : vector<512x1xi32>
    %convert_element_type3A_40 = arith.fptosi %dot_general3A_25 : vector<512x1xf32> to vector<512x1xi32>
    %or3A = arith.ori %shift_left3A_39, %convert_element_type3A_40 : vector<512x1xi32>
    %swap3A = arith.constant 0 : index
    %swap3A_41 = arith.constant 0 : index
    %swap3A_42 = vector.load %arg5[%swap3A, %swap3A_41] : memref<512x1xi32, #tpu.memory_space<vmem>>, vector<512x1xi32>
    tpu.vector_store %arg5[%swap3A, %swap3A_41], %or3A {strides = array<i32>} : memref<512x1xi32, #tpu.memory_space<vmem>>, vector<512x1xi32>,
    %swap3A_43 = arith.constant 0 : index
    %swap3A_44 = arith.constant 0 : index
    %swap3A_45 = vector.load %arg6[%swap3A_43, %swap3A_44] : memref<512x1xf32, #tpu.memory_space<vmem>>, vector<512x1xf32>
    tpu.vector_store %arg6[%swap3A_43, %swap3A_44], %add3A_36 {strides = array<i32>} : memref<512x1xf32, #tpu.memory_space<vmem>>, vector<512x1xf32>,
    return
  }
  func.func @transform_0(%arg0: i32) -> (i32, i32) {
    %c0_i32 = arith.constant 0 : i32
    %c0_i32_0 = arith.constant 0 : i32
    %c0_i32_1 = arith.constant 0 : i32
    return %c0_i32, %c0_i32_0 : i32, i32
  }
  func.func @transform_1(%arg0: i32) -> (i32, i32) {
    %c0_i32 = arith.constant 0 : i32
    %c0_i32_0 = arith.constant 0 : i32
    %c0_i32_1 = arith.constant 0 : i32
    return %c0_i32, %c0_i32_0 : i32, i32
  }
  func.func @transform_2(%arg0: i32) -> (i32, i32) {
    %c0_i32 = arith.constant 0 : i32
    %c0_i32_0 = arith.constant 0 : i32
    %c0_i32_1 = arith.constant 0 : i32
    return %c0_i32, %c0_i32_0 : i32, i32
  }
  func.func @transform_3(%arg0: i32) -> (i32, i32) {
    %c0_i32 = arith.constant 0 : i32
    %c0_i32_0 = arith.constant 0 : i32
    %c0_i32_1 = arith.constant 0 : i32
    return %c0_i32, %c0_i32_0 : i32, i32
  }
  func.func @transform_4(%arg0: i32) -> (i32, i32) {
    %c0_i32 = arith.constant 0 : i32
    %c0_i32_0 = arith.constant 0 : i32
    return %arg0, %c0_i32 : i32, i32
  }
  func.func @transform_5(%arg0: i32) -> (i32, i32) {
    %c0_i32 = arith.constant 0 : i32
    %c0_i32_0 = arith.constant 0 : i32
    return %arg0, %c0_i32 : i32, i32
  }
}

module attributes {stable_mosaic.version = 14 : i64} {
  func.func @_ffn_body(%arg0: i32, %arg1: memref<80x768xf32, #tpu.memory_space<vmem>>, %arg2: memref<1x768x1536xf32, #tpu.memory_space<vmem>>, %arg3: memref<1x1x1536xf32, #tpu.memory_space<vmem>>, %arg4: memref<1x1536x768xf32, #tpu.memory_space<vmem>>, %arg5: memref<1x1x768xf32, #tpu.memory_space<vmem>>, %arg6: memref<80x1xf32, #tpu.memory_space<vmem>>, %arg7: memref<80x768xf32, #tpu.memory_space<vmem>>) attributes {dimension_semantics = [#tpu.dimension_semantics<arbitrary>], iteration_bounds = array<i64: 65>, scalar_prefetch = 0 : i64, scratch_operands = 0 : i64, tpu.core_type = #tpu.core_type<tc>, window_params = [{transform_indices = @transform_0, window_bounds = array<i64: 80, 768>}, {transform_indices = @transform_1, window_bounds = array<i64: 1, 768, 1536>}, {transform_indices = @transform_2, window_bounds = array<i64: 1, 1, 1536>}, {transform_indices = @transform_3, window_bounds = array<i64: 1, 1536, 768>}, {transform_indices = @transform_4, window_bounds = array<i64: 1, 1, 768>}, {transform_indices = @transform_5, window_bounds = array<i64: 80, 1>}, {transform_indices = @transform_6, window_bounds = array<i64: 80, 768>}]} {
    %lt3A = arith.constant 64 : i32
    %lt3A_0 = arith.cmpi slt, %arg0, %lt3A : i32
    %convert_element_type3A = arith.extui %lt3A_0 : i1 to i32
    %cond3A = arith.constant 0 : i32
    %cond3A_1 = arith.cmpi ne, %convert_element_type3A, %cond3A : i32
    scf.if %cond3A_1 {
      %get3A = arith.constant 0 : index
      %get3A_6 = arith.constant 0 : index
      %get3A_7 = vector.load %arg1[%get3A, %get3A_6] : memref<80x768xf32, #tpu.memory_space<vmem>>, vector<80x768xf32>
      %get3A_8 = arith.constant 0 : index
      %get3A_9 = arith.constant 0 : index
      %get3A_10 = arith.constant 0 : index
      %get3A_11 = vector.load %arg2[%get3A_8, %get3A_9, %get3A_10] : memref<1x768x1536xf32, #tpu.memory_space<vmem>>, vector<1x768x1536xf32>
      %get3A_12 = vector.shape_cast %get3A_11 : vector<1x768x1536xf32> to vector<768x1536xf32>
      %dot_general3A = arith.constant dense<0.000000e+00> : vector<80x1536xf32>
      %dot_general3A_13 = tpu.matmul %get3A_7, %get3A_12, %dot_general3A {dimension_numbers = #tpu.dot_dimension_numbers<[1], [0], [0], [1], [0, 0, 1, 1], [], []>, transpose_lhs_hint = false} : vector<80x768xf32>, vector<768x1536xf32>, vector<80x1536xf32> -> vector<80x1536xf32>
      %get3A_14 = arith.constant 0 : index
      %get3A_15 = arith.constant 0 : index
      %get3A_16 = arith.constant 0 : index
      %get3A_17 = vector.load %arg3[%get3A_14, %get3A_15, %get3A_16] : memref<1x1x1536xf32, #tpu.memory_space<vmem>>, vector<1x1x1536xf32>
      %get3A_18 = vector.shape_cast %get3A_17 : vector<1x1x1536xf32> to vector<1x1536xf32>
      %add3A = vector.broadcast %get3A_18 : vector<1x1536xf32> to vector<80x1536xf32>
      %add3A_19 = arith.addf %dot_general3A_13, %add3A : vector<80x1536xf32>
      %mul3A = arith.constant 5.000000e-01 : f32
      %mul3A_20 = vector.broadcast %mul3A : f32 to vector<80x1536xf32>
      %mul3A_21 = arith.mulf %mul3A_20, %add3A_19 : vector<80x1536xf32>
      %mul3A_22 = arith.constant 0.707106769 : f32
      %mul3A_23 = vector.broadcast %mul3A_22 : f32 to vector<80x1536xf32>
      %mul3A_24 = arith.mulf %add3A_19, %mul3A_23 : vector<80x1536xf32>
      %erf3A = math.erf %mul3A_24 : vector<80x1536xf32>
      %add3A_25 = arith.constant 1.000000e+00 : f32
      %add3A_26 = vector.broadcast %add3A_25 : f32 to vector<80x1536xf32>
      %add3A_27 = arith.addf %add3A_26, %erf3A : vector<80x1536xf32>
      %mul3A_28 = arith.mulf %mul3A_21, %add3A_27 : vector<80x1536xf32>
      %get3A_29 = arith.constant 0 : index
      %get3A_30 = arith.constant 0 : index
      %get3A_31 = arith.constant 0 : index
      %get3A_32 = vector.load %arg4[%get3A_29, %get3A_30, %get3A_31] : memref<1x1536x768xf32, #tpu.memory_space<vmem>>, vector<1x1536x768xf32>
      %get3A_33 = vector.shape_cast %get3A_32 : vector<1x1536x768xf32> to vector<1536x768xf32>
      %dot_general3A_34 = arith.constant dense<0.000000e+00> : vector<80x768xf32>
      %dot_general3A_35 = tpu.matmul %mul3A_28, %get3A_33, %dot_general3A_34 {dimension_numbers = #tpu.dot_dimension_numbers<[1], [0], [0], [1], [0, 0, 1, 1], [], []>, transpose_lhs_hint = false} : vector<80x1536xf32>, vector<1536x768xf32>, vector<80x768xf32> -> vector<80x768xf32>
      %get3A_36 = arith.constant 0 : index
      %get3A_37 = arith.constant 0 : index
      %get3A_38 = arith.constant 0 : index
      %get3A_39 = vector.load %arg5[%get3A_36, %get3A_37, %get3A_38] : memref<1x1x768xf32, #tpu.memory_space<vmem>>, vector<1x1x768xf32>
      %get3A_40 = vector.shape_cast %get3A_39 : vector<1x1x768xf32> to vector<1x768xf32>
      %add3A_41 = vector.broadcast %get3A_40 : vector<1x768xf32> to vector<80x768xf32>
      %add3A_42 = arith.addf %dot_general3A_35, %add3A_41 : vector<80x768xf32>
      %get3A_43 = arith.constant 0 : index
      %get3A_44 = arith.constant 0 : index
      %get3A_45 = vector.load %arg6[%get3A_43, %get3A_44] : memref<80x1xf32, #tpu.memory_space<vmem>>, vector<80x1xf32>
      %mul3A_46 = vector.broadcast %get3A_45 : vector<80x1xf32> to vector<80x768xf32>
      %mul3A_47 = arith.mulf %add3A_42, %mul3A_46 : vector<80x768xf32>
      %swap3A = arith.constant 0 : index
      %swap3A_48 = arith.constant 0 : index
      %swap3A_49 = vector.load %arg7[%swap3A, %swap3A_48] : memref<80x768xf32, #tpu.memory_space<vmem>>, vector<80x768xf32>
      tpu.vector_store %arg7[%swap3A, %swap3A_48], %mul3A_47 {strides = array<i32>} : memref<80x768xf32, #tpu.memory_space<vmem>>, vector<80x768xf32>,
    } else {
    }
    %ge3A = arith.constant 64 : i32
    %ge3A_2 = arith.cmpi sge, %arg0, %ge3A : i32
    %convert_element_type3A_3 = arith.extui %ge3A_2 : i1 to i32
    %cond3A_4 = arith.constant 0 : i32
    %cond3A_5 = arith.cmpi ne, %convert_element_type3A_3, %cond3A_4 : i32
    scf.if %cond3A_5 {
      %broadcast_in_dim3A = arith.constant 0.000000e+00 : f32
      %broadcast_in_dim3A_6 = vector.broadcast %broadcast_in_dim3A : f32 to vector<80x768xf32>
      %swap3A = arith.constant 0 : index
      %swap3A_7 = arith.constant 0 : index
      %swap3A_8 = vector.load %arg7[%swap3A, %swap3A_7] : memref<80x768xf32, #tpu.memory_space<vmem>>, vector<80x768xf32>
      tpu.vector_store %arg7[%swap3A, %swap3A_7], %broadcast_in_dim3A_6 {strides = array<i32>} : memref<80x768xf32, #tpu.memory_space<vmem>>, vector<80x768xf32>,
    } else {
    }
    return
  }
  func.func @transform_0(%arg0: i32) -> (i32, i32) {
    %min3A = arith.constant 63 : i32
    %min3A_0 = arith.minsi %arg0, %min3A : i32
    %c0_i32 = arith.constant 0 : i32
    %c0_i32_1 = arith.constant 0 : i32
    return %min3A_0, %c0_i32 : i32, i32
  }
  func.func @transform_1(%arg0: i32) -> (i32, i32, i32) {
    %min3A = arith.constant 63 : i32
    %min3A_0 = arith.minsi %arg0, %min3A : i32
    %c0_i32 = arith.constant 0 : i32
    %c0_i32_1 = arith.constant 0 : i32
    %c0_i32_2 = arith.constant 0 : i32
    return %min3A_0, %c0_i32, %c0_i32_1 : i32, i32, i32
  }
  func.func @transform_2(%arg0: i32) -> (i32, i32, i32) {
    %min3A = arith.constant 63 : i32
    %min3A_0 = arith.minsi %arg0, %min3A : i32
    %c0_i32 = arith.constant 0 : i32
    %c0_i32_1 = arith.constant 0 : i32
    %c0_i32_2 = arith.constant 0 : i32
    return %min3A_0, %c0_i32, %c0_i32_1 : i32, i32, i32
  }
  func.func @transform_3(%arg0: i32) -> (i32, i32, i32) {
    %min3A = arith.constant 63 : i32
    %min3A_0 = arith.minsi %arg0, %min3A : i32
    %c0_i32 = arith.constant 0 : i32
    %c0_i32_1 = arith.constant 0 : i32
    %c0_i32_2 = arith.constant 0 : i32
    return %min3A_0, %c0_i32, %c0_i32_1 : i32, i32, i32
  }
  func.func @transform_4(%arg0: i32) -> (i32, i32, i32) {
    %min3A = arith.constant 63 : i32
    %min3A_0 = arith.minsi %arg0, %min3A : i32
    %c0_i32 = arith.constant 0 : i32
    %c0_i32_1 = arith.constant 0 : i32
    %c0_i32_2 = arith.constant 0 : i32
    return %min3A_0, %c0_i32, %c0_i32_1 : i32, i32, i32
  }
  func.func @transform_5(%arg0: i32) -> (i32, i32) {
    %min3A = arith.constant 63 : i32
    %min3A_0 = arith.minsi %arg0, %min3A : i32
    %c0_i32 = arith.constant 0 : i32
    %c0_i32_1 = arith.constant 0 : i32
    return %min3A_0, %c0_i32 : i32, i32
  }
  func.func @transform_6(%arg0: i32) -> (i32, i32) {
    %c0_i32 = arith.constant 0 : i32
    %c0_i32_0 = arith.constant 0 : i32
    return %arg0, %c0_i32 : i32, i32
  }
}

module attributes {stable_mosaic.version = 14 : i64} {
  func.func @_add_body(%arg0: i32, %arg1: memref<256x768xf32, #tpu.memory_space<vmem>>, %arg2: memref<256x768xf32, #tpu.memory_space<vmem>>, %arg3: memref<256x768xf32, #tpu.memory_space<vmem>>) attributes {dimension_semantics = [#tpu.dimension_semantics<arbitrary>], iteration_bounds = array<i64: 8>, scalar_prefetch = 0 : i64, scratch_operands = 0 : i64, tpu.core_type = #tpu.core_type<tc>, window_params = [{transform_indices = @transform_0, window_bounds = array<i64: 256, 768>}, {transform_indices = @transform_1, window_bounds = array<i64: 256, 768>}, {transform_indices = @transform_2, window_bounds = array<i64: 256, 768>}]} {
    %get3A = arith.constant 0 : index
    %get3A_0 = arith.constant 0 : index
    %get3A_1 = vector.load %arg1[%get3A, %get3A_0] : memref<256x768xf32, #tpu.memory_space<vmem>>, vector<256x768xf32>
    %get3A_2 = arith.constant 0 : index
    %get3A_3 = arith.constant 0 : index
    %get3A_4 = vector.load %arg2[%get3A_2, %get3A_3] : memref<256x768xf32, #tpu.memory_space<vmem>>, vector<256x768xf32>
    %add3A = arith.addf %get3A_1, %get3A_4 : vector<256x768xf32>
    %swap3A = arith.constant 0 : index
    %swap3A_5 = arith.constant 0 : index
    %swap3A_6 = vector.load %arg3[%swap3A, %swap3A_5] : memref<256x768xf32, #tpu.memory_space<vmem>>, vector<256x768xf32>
    tpu.vector_store %arg3[%swap3A, %swap3A_5], %add3A {strides = array<i32>} : memref<256x768xf32, #tpu.memory_space<vmem>>, vector<256x768xf32>,
    return
  }
  func.func @transform_0(%arg0: i32) -> (i32, i32) {
    %c0_i32 = arith.constant 0 : i32
    %c0_i32_0 = arith.constant 0 : i32
    return %arg0, %c0_i32 : i32, i32
  }
  func.func @transform_1(%arg0: i32) -> (i32, i32) {
    %c0_i32 = arith.constant 0 : i32
    %c0_i32_0 = arith.constant 0 : i32
    return %arg0, %c0_i32 : i32, i32
  }
  func.func @transform_2(%arg0: i32) -> (i32, i32) {
    %c0_i32 = arith.constant 0 : i32
    %c0_i32_0 = arith.constant 0 : i32
    return %arg0, %c0_i32 : i32, i32
  }
}

</mosaic_0001>

<sc_bundles>
// kernel: kernel.12.cloned.1.call-start
scs
__scs_entry_jumppad:
0x0: {  	(pc) =	sbr.rel $0x88, $3  }
0x1: {  	(tag) =	ssettag $0x0;
	lr =	simm.s32 $0x1  }
0x2: {  	[smem:$0x3F98] =	sst lr;
	_ =	strace $0xD0000000  }
0x3: {  	_ = 	snop  }
0x4: {  	_ = 	snop  }
0x5: {  	_ = 	snop  }
0x6: {  	_ = 	snop  }
0x7: {  	_ = 	snop  }
__scs_overlays_trampoline_lowered:
0x8: {  	[smem:$0x3FA7] =	sst s0  }
0x9: {  	[smem:$0x3FA8] =	sst s1  }
0xa: {  	[smem:$0x3FA9] =	sst s2  }
0xb: {  	[smem:$0x3FAA] =	sst s3  }
0xc: {  	[smem:$0x3FAB] =	sst s4  }
0xd: {  	[smem:$0x3FAC] =	sst s5  }
0xe: {  	[smem:$0x3FAD] =	sst s6  }
0xf: {  	[smem:$0x3FAE] =	sst s7  }
0x10: {  	[smem:$0x3FAF] =	sst s8  }
0x11: {  	[smem:$0x3FB0] =	sst s9;
	s0 =	simm.s32 @!p0 $0x0  }
0x12: {  	s1 =	sld [smem:$0x3F96];
	s0 =	simm.s32 @p0 $0x1  }
0x13: {  	[smem:$0x3FB1] =	sst s0;
	s0 =	simm.s32 @!p1 $0x0  }
0x14: {  	s2 =	sld [smem:$0x3F95];
	s0 =	simm.s32 @p1 $0x1  }
0x15: {  	[smem:$0x3FB2] =	sst s0;
	s0 =	simm.s32 @!p2 $0x0  }
0x16: {  	s3 =	sld [smem:$0x3FDB];
	s0 =	simm.s32 @p2 $0x1  }
0x17: {  	s4 =	simm.s32 $0x1BF5;
	[smem:$0x3FB4] =	sst s0  }
0x18: {  	s0 =	sld [smem:$0x3F97];
	_ =	swait.ge [sflag:s4], $0x0  }
0x19: {  	s7 =	sld [smem:$0x3F98]  }
0x1a: {  	s8 =	sadd.s32 $0xFFFFE003, lr  }
0x1b: {  	s9 =	sadd.s32 $0xFFFFFEF7, lr;
	s5 =	simm.s32 $0xFFFFFFFF;
	p2 =	slt.u32 s8, $0xFFFFF086  }
0x1c: {  	p1 =	slt.u32 s9, $0xF7A;
	s5 =	simm.s32 @!p2 $0x0  }
0x1d: {  	s5 =	simm.s32 @p1 $0x1;
	p0 =	seq.s32 s7, s2  }
0x1e: {  	s7 =	smul.u32 @!p0 $0xF7A, s2;
	p2 =	seq.s32 @!p0 s5, $0x0  }
0x1f: {  	s9 =	smul.u32 $0xF7A, s1;
	s8 =	simm.s32 @!p0 $0x1BF5;
	p2 =	por !p2, p0  }
0x20: {  	[sflag:s8] =	ssyncset.s32 @!p0 $0xFFFFF086;
	s6 =	sadd.s32 @!p0 s3, s7;
	s7 =	simm.s32 @!p0 $0x108  }
0x21: {  	s3 =	sadd.s32 s3, s9;
	s6 =	sadd.s32 @!p0 $0x88, s6;
	s7 =	simm.s32 @p2 $0x1082  }
0x22: {  	[simem:s7], [sflag:s8] =	dma.local @!p0 [hbm:s6], $0xF7A  }
0x23: {  	s9 =	sor.u32 $0xD0000000, s2;
	s6 =	simm.s32 $0x108;
	_ =	swait.ge @!p0 [sflag:s8], $0x0  }
0x24: {  	s3 =	sadd.s32 $0x88, s3;
	s6 =	simm.s32 @!p1 $0x1082;
	[sflag:s4] =	ssyncset.s32 $0xFFFFF086  }
0x25: {  	[simem:s6], [sflag:s4] =	dma.local [hbm:s3], $0xF7A  }
0x26: {  	[smem:$0x3F98] =	sst s1;
	(tag) =	ssettag s2;
	_ =	strace s9  }
0x27: {  	s1 =	sld [smem:$0x3FA8]  }
0x28: {  	s2 =	sld [smem:$0x3FA9]  }
0x29: {  	s4 =	sld [smem:$0x3FAB]  }
0x2a: {  	p0 =	seq.s32 s5, $0x0;
	s5 =	sld [smem:$0x3FAC]  }
0x2b: {  	s6 =	sld [smem:$0x3FAD]  }
0x2c: {  	s7 =	sld [smem:$0x3FAE]  }
0x2d: {  	s3 =	simm.s32 $0x108;
	s8 =	sld [smem:$0x3FAF]  }
0x2e: {  	s3 =	simm.s32 @!p0 $0x1082;
	s9 =	sld [smem:$0x3FB0]  }
0x2f: {  	lr =	sadd.s32 s0, s3;
	s0 =	sld [smem:$0x3FA7]  }
0x30: {  	s3 =	sld [smem:$0x3FAA]  }
0x31: {  	[smem:$0x3FB3] =	sst s10  }
0x32: {  	s10 =	sld [smem:$0x3FB1];
	_ =	sdelay $0x3  }
0x33: {  	p0 =	seq.s32 s10, $0x1;
	s10 =	sld [smem:$0x3FB3];
	_ =	sdelay $0x3  }
0x34: {  	[smem:$0x3FB3] =	sst s10  }
0x35: {  	s10 =	sld [smem:$0x3FB2];
	_ =	sdelay $0x3  }
0x36: {  	p1 =	seq.s32 s10, $0x1;
	s10 =	sld [smem:$0x3FB3];
	_ =	sdelay $0x3  }
0x37: {  	[smem:$0x3FB3] =	sst s10  }
0x38: {  	s10 =	sld [smem:$0x3FB4]  }
0x39: {  	_ = 	snop;
	(pc) =	sbr.ind lr, $3  }
0x3a: {  	_ = 	snop  }
0x3b: {  	_ = 	snop  }
0x3c: {  	p2 =	seq.s32 s10, $0x1;
	s10 =	sld [smem:$0x3FB3]  }
0x3d: {  	_ =	shalt  }
0x3e: {  	_ =	shalt  }
0x3f: {  	_ =	shalt  }
0x40: {  	_ =	shalt  }
0x41: {  	_ =	shalt  }
0x42: {  	_ =	shalt  }
0x43: {  	_ =	shalt  }
0x44: {  	_ =	shalt  }
0x45: {  	_ =	shalt  }
0x46: {  	_ =	shalt  }
0x47: {  	_ =	shalt  }
0x48: {  	_ =	shalt  }
0x49: {  	_ =	shalt  }
0x4a: {  	_ =	shalt  }
0x4b: {  	_ =	shalt  }
0x4c: {  	_ =	shalt  }
0x4d: {  	_ =	shalt  }
0x4e: {  	_ =	shalt  }
0x4f: {  	_ =	shalt  }
0x50: {  	_ =	shalt  }
0x51: {  	_ =	shalt  }
0x52: {  	_ =	shalt  }
0x53: {  	_ =	shalt  }
0x54: {  	_ =	shalt  }
0x55: {  	_ =	shalt  }
0x56: {  	_ =	shalt  }
0x57: {  	_ =	shalt  }
0x58: {  	_ =	shalt  }
0x59: {  	_ =	shalt  }
0x5a: {  	_ =	shalt  }
0x5b: {  	_ =	shalt  }
0x5c: {  	_ =	shalt  }
0x5d: {  	_ =	shalt  }
0x5e: {  	_ =	shalt  }
0x5f: {  	_ =	shalt  }
0x60: {  	_ =	shalt  }
0x61: {  	_ =	shalt  }
0x62: {  	_ =	shalt  }
0x63: {  	_ =	shalt  }
0x64: {  	_ =	shalt  }
0x65: {  	_ =	shalt  }
0x66: {  	_ =	shalt  }
0x67: {  	_ =	shalt  }
0x68: {  	_ =	shalt  }
0x69: {  	_ =	shalt  }
0x6a: {  	_ =	shalt  }
0x6b: {  	_ =	shalt  }
0x6c: {  	_ =	shalt  }
0x6d: {  	_ =	shalt  }
0x6e: {  	_ =	shalt  }
0x6f: {  	_ =	shalt  }
0x70: {  	_ =	shalt  }
0x71: {  	_ =	shalt  }
0x72: {  	_ =	shalt  }
0x73: {  	_ =	shalt  }
0x74: {  	_ =	shalt  }
0x75: {  	_ =	shalt  }
0x76: {  	_ =	shalt  }
0x77: {  	_ =	shalt  }
0x78: {  	_ =	shalt  }
0x79: {  	_ =	shalt  }
0x7a: {  	_ =	shalt  }
0x7b: {  	_ =	shalt  }
0x7c: {  	_ =	shalt  }
0x7d: {  	_ =	shalt  }
0x7e: {  	_ =	shalt  }
0x7f: {  	_ =	shalt  }
0x80: {  	_ =	shalt  }
0x81: {  	_ =	shalt  }
0x82: {  	_ =	shalt  }
0x83: {  	_ =	shalt  }
0x84: {  	_ =	shalt  }
0x85: {  	_ =	shalt  }
0x86: {  	_ =	shalt  }
0x87: {  	_ =	shalt  }
.Lfunc_end0:
.L_simem_size_0:
called_computation.1_lowered:
.L_overlay_start_0:
0x88: {  	s2 =	sld [smem:$0x3FD9]  }
0x89: {  	s3 =	sld [smem:$0x3FFE];
	_ =	sdelay $0x1  }
0x8a: {  	s1 =	srdreg.scid  }
0x8b: {  	s0 =	sand.u32 $0x1, s1  }
0x8c: {  	s17 =	sshll.u32 s0, $0xA;
	s2 =	sadd.s32 s3, s2  }
0x8d: {  	s2 =	sadd.s32 s2, s17  }
0x8e: {  	[smem:$0x3FBF] =	sst s2  }
0x8f: {  	_ = 	snop  }
0x90: {  	s2 =	sld [smem:$0x3FD0];
	(tm) =	ssettm $0x1  }
0x91: {  	s18 =	sld [smem:$0x3FFB];
	_ =	sdelay $0x3  }
0x92: {  	_ =	strace s18  }
0x93: {  	s3 =	sld [smem:$0x3FFC];
	_ =	sdelay $0x3  }
0x94: {  	_ =	strace s3  }
0x95: {  	s3 =	sld [smem:$0x3FFD];
	_ =	sdelay $0x3  }
0x96: {  	_ =	strace s3  }
0x97: {  	_ =	strace $0x8FFFFFFF  }
0x98: {  	s19 =	sld [smem:$0x3FDB];
	_ =	sdelay $0x1  }
0x99: {  	s4 =	simm.s32 $_scs_section_size  }
0x9a: {  	s5 =	simm.s32 $_size__tile_overlayer_lowered;
	s6 =	simm.s32 $_tile_overlayer_lowered  }
0x9b: {  	s22 =	simm.s32 $0x1BFF;
	s21 =	sshll.u32 s6, $0x1;
	s3 =	sadd.s32 s4, s19  }
0x9c: {  	s7 =	simm.s32 $0x0;
	s20 =	sshll.u32 s5, $0x1;
	s5 =	sadd.s32 s21, s3  }
0x9d: {  	[timem:s7], [sflag:s22] =	dma.local [hbm:s5], s20  }
0x9e: {  	_ =	swait.ge [sflag:s22], s20  }
0x9f: {  	s4 =	ssub.s32 $0x0, s20;
	[sflag:s22] =	ssyncset.done $0x0  }
0xa0: {  	[sflag:s22] =	ssyncadd.s32 s4;
	_ =	sdelay $0x1  }
0xa1: {  	s23 =	simm.s32 $0x1B8B  }
0xa2: {  	_ =	swait.ge [sflag:s23], $0x1  }
0xa3: {  	[sflag:s23] =	ssyncset.done $0x0  }
0xa4: {  	s25 =	simm.s32 $0x1B8E;
	s24 =	sld [smem:$0x3FFE];
	[sflag:s23] =	ssyncadd.s32 $0xFFFFFFFF  }
0xa5: {  	s26 =	simm.s32 $execute0_lowered;
	[smem:$0x3FD2] =	sst s25  }
0xa6: {  	s5 =	sshll.u32 s26, $0x1;
	_ =	strace $0x80000049;
	[dreg:$0x1] =	wrdreg $0xFFFFFFFF  }
0xa7: {  	s28 =	simm.s32 $_size_execute0_lowered;
	s3 =	sadd.s32 s3, s5;
	[dreg:$0x0] =	wrdreg $0x0  }
0xa8: {  	s5 =	sshll.u32 s28, $0x1;
	[dreg:$0x2] =	wrdreg s3  }
0xa9: {  	[dreg:$0x3] =	wrdreg s5  }
0xaa: {  	[dreg:$0x4] =	wrdreg $0xC0  }
0xab: {  	_ =	task [dreg:s7], $0x5FFFF  }
0xac: {  	[dreg:$0x1] =	wrdreg $0xFFFFFFFF  }
0xad: {  	[dreg:$0x0] =	wrdreg $0x60  }
0xae: {  	[dreg:$0x2] =	wrdreg s24  }
0xaf: {  	[dreg:$0x3] =	wrdreg s2  }
0xb0: {  	[dreg:$0x4] =	wrdreg $0x9  }
0xb1: {  	_ =	task.clear_ibuf [dreg:s7], $0x5FFFF;
	_ =	strace $0x90000049  }
0xb2: {  	s29 =	simm.s32 $0x9;
	_ =	strace $0x8000004B  }
0xb3: {  	_ =	swait.ge [sflag:s29], $0x1  }
0xb4: {  	[sflag:s29] =	ssyncadd.s32 $0xFFFFFFFF  }
0xb5: {  	_ =	strace $0x9000004B  }
0xb6: {  	_ =	sfence  }
0xb7: {  	s30 =	sld [smem:$0x0];
	_ =	sdelay $0x2  }
0xb8: {  	s31 =	sshll.u32 s1, $0xD;
	s1 =	sshrl.u32 s1, $0x2  }
0xb9: {  	s3 =	sand.u32 $0x4000, s31;
	s1 =	sadd.s32 s1, s30  }
0xba: {  	s0 =	sor.u32 s3, s0;
	s1 =	sshll.u32 s1, $0x11  }
0xbb: {  	s0 =	sor.u32 s1, s0  }
0xbc: {  	s0 =	sadd.s32 $0x8F2B, s0  }
0xbd: {  	[sflag:s0] =	ssyncadd.remote.s32 $0x1  }
0xbe: {  	_ =	sfence.sel $0xFFFF  }
0xbf: {  	[dreg:$0x0] =	wrdreg $0xFFFFFFFF;
	(pc) =	sbr.abs _section_cstart, $3  }
0xc0: {  	[dreg:$0x1] =	wrdreg $0xFFFFFFFF  }
0xc1: {  	_ =	task.clear_ibuf [dreg:s7], $0x2FFFF;
	_ =	strace $0x9FFFFFFF  }
0xc2: {  	(tm) =	ssettm $0x7FFFFFFF  }
0xc3: {  	_ =	shalt  }
tec
execute0_lowered:
.L_overlay_start_1:
0x0: {  	(tag) =	ssettag $0x1  }
0x1: {  	s2 =	srdreg.scid;
	s1 =	rddreg [dreg:$0x0]  }
0x2: {  	s3 =	rddreg [dreg:$0x1];
	s4 =	sand.u32 $0x1, s2;
	s2 =	simm.s32 $0x0  }
0x3: {  	s20 =	simm.s32 $0x80;
	[smem:$0x7FF] =	sst s2  }
0x4: {  	s21 =	simm.s32 $0x900;
	_ =	strace $0x8000004A;
	[dreg:$0x7] =	wrdreg s20  }
0x5: {  	s22 =	simm.s32 $0x1100;
	[dreg:$0x8] =	wrdreg s21  }
0x6: {  	s23 =	simm.s32 $0x1900;
	[dreg:$0x9] =	wrdreg s22  }
0x7: {  	s24 =	simm.s32 $0x2100;
	[dreg:$0xa] =	wrdreg s23  }
0x8: {  	s25 =	simm.s32 $0x2900;
	[dreg:$0xb] =	wrdreg s24  }
0x9: {  	s0 =	stileid.u32;
	s26 =	simm.s32 $0x3100;
	[dreg:$0xc] =	wrdreg s25  }
0xa: {  	s5 =	sshll.u32 s0, $0x4;
	s0 =	simm.s32 $0x3900;
	[dreg:$0xd] =	wrdreg s26  }
0xb: {  	s8 =	simm.s32 $0x5900;
	[dreg:$0xe] =	wrdreg s0  }
0xc: {  	s9 =	simm.s32 $0x6100;
	[dreg:$0x12] =	wrdreg s8  }
0xd: {  	s10 =	simm.s32 $0x6900;
	[dreg:$0x13] =	wrdreg s9  }
0xe: {  	s11 =	simm.s32 $0x7100;
	s12 =	simm.s32 $0x7900;
	[dreg:$0x14] =	wrdreg s10  }
0xf: {  	s13 =	simm.s32 $0x8100;
	s14 =	simm.s32 $0x8900;
	[dreg:$0x15] =	wrdreg s11  }
0x10: {  	s15 =	simm.s32 $0x9100;
	s16 =	simm.s32 $0x9900;
	[dreg:$0x16] =	wrdreg s12  }
0x11: {  	s17 =	simm.s32 $0xA100;
	s28 =	simm.s32 $0x17900;
	[dreg:$0x17] =	wrdreg s13  }
0x12: {  	s29 =	simm.s32 $0x1;
	s30 =	simm.s32 $0x2;
	[dreg:$0x18] =	wrdreg s14  }
0x13: {  	s31 =	simm.s32 $0x3;
	s6 =	sshll.u32 s4, $0x3;
	[dreg:$0x19] =	wrdreg s15  }
0x14: {  	s4 =	ssub.s32 $0x2, s4;
	s5 =	sor.u32 s6, s5;
	[dreg:$0x1a] =	wrdreg s16  }
0x15: {  	[dreg:$0x1b] =	wrdreg s17;
	s20 =	simm.s32 $0xB100;
	s21 =	simm.s32 $0xB900  }
0x16: {  	s22 =	simm.s32 $0xC900;
	s23 =	simm.s32 $0xD100;
	s24 =	simm.s32 $0xD900  }
0x17: {  	s25 =	simm.s32 $0xE100;
	s8 =	simm.s32 $0x100;
	[dreg:$0x1d] =	wrdreg s20  }
0x18: {  	s26 =	simm.s32 $0xE900;
	s9 =	simm.s32 $0xC100;
	[dreg:$0x1e] =	wrdreg s21  }
0x19: {  	s11 =	simm.s32 $0xF900;
	s12 =	simm.s32 $0x10100;
	[dreg:$0x1f] =	wrdreg s22  }
0x1a: {  	s13 =	simm.s32 $0x10900;
	s14 =	simm.s32 $0x11100;
	[smem:$0x7FA] =	sst s23  }
0x1b: {  	s15 =	simm.s32 $0x11900;
	s16 =	simm.s32 $0x12100;
	[smem:$0x7FB] =	sst s24  }
0x1c: {  	s17 =	simm.s32 $0x12900;
	s6 =	sadd.s32 s5, s1;
	[smem:$0x7FC] =	sst s25  }
0x1d: {  	s5 =	smul.u32 $0x300, s5;
	[smem:$0x7FD] =	sst s26;
	s20 =	simm.s32 $0x14100  }
0x1e: {  	s21 =	simm.s32 $0x14900;
	s22 =	simm.s32 $0x15100;
	s7 =	sadd.s32 $0x79400, s6  }
0x1f: {  	s23 =	simm.s32 $0x15900;
	s6 =	sadd.s32 $0x79600, s6;
	[dreg:$0x3] =	wrdreg s7  }
0x20: {  	s24 =	simm.s32 $0x16100;
	[dreg:$0x4] =	wrdreg s6;
	s3 =	sadd.s32 s3, s5  }
0x21: {  	s18 =	sadd.s32 s5, s1;
	s5 =	simm.s32 $0x4100;
	[dreg:$0x5] =	wrdreg s3  }
0x22: {  	s25 =	simm.s32 $0x16900;
	s6 =	simm.s32 $0x4900;
	[dreg:$0xf] =	wrdreg s5  }
0x23: {  	s26 =	simm.s32 $0x17100;
	s7 =	simm.s32 $0x5100;
	[dreg:$0x10] =	wrdreg s6  }
0x24: {  	s19 =	sadd.s32 $0x1400, s18;
	[dreg:$0x11] =	wrdreg s7;
	s3 =	sadd.s32 $0x79800, s1  }
0x25: {  	s18 =	simm.s32 $0xA900;
	s5 =	sadd.s32 $0x79A00, s1;
	[dreg:$0x6] =	wrdreg s19  }
0x26: {  	v2 =	vlaneseq.u32;
	s7 =	simm.s32 $0x5;
	s19 =	sshrl.u32 s4, $0x1;
	[dreg:$0x1c] =	wrdreg s18  }
0x27: {  	vm0 =	vmmov $0xffff;
	v1 =	vshrl.u32 v2, $0x3;
	s18 =	simm.s32 $0x13100;
	s6 =	ssub.s32 s4, s19;
	s4 =	sadd.s32 $0x79900, s1  }
0x28: {  	v0 =	vand.u32 $0x7, v2;
	v2 =	vor.u32 $0x8, v2;
	v1 =	vmul.u32 $0x8, v1;
	s19 =	simm.s32 $0x13900;
	s1 =	simm.s32 $0x4;
	s6 =	smax.u32 s6, $0x1  }
.LBB2_1:
0x29: {  	s0 =	rddreg [dreg:$0x3]  }
0x2a: {  	[tilespmem:s2], [sflag:$0x5] =	stream.linear.gather [hbm4b:s0+s2], $0x40, $0x38;
	[tilespmem:$0x18100] =	vst v63  }
0x2b: {  	_ =	swait.ge [sflag:s7], $0x40  }
0x2c: {  	s0 =	rddreg [dreg:$0x4];
	[sflag:s7] =	ssyncset.done $0x0  }
0x2d: {  	s10 =	rddreg [dreg:$0x7];
	[sflag:s7] =	ssyncadd.s32 $0xFFFFFFC0  }
0x2e: {  	[tilespmem:s10], [sflag:$0x5] =	stream.linear.gather [hbm4b:s0+s2], $0x40, $0x38;
	[tilespmem:$0x18100] =	vst v63  }
0x2f: {  	_ =	swait.ge [sflag:s7], $0x40  }
0x30: {  	[sflag:s7] =	ssyncset.done $0x0  }
0x31: {  	[sflag:s7] =	ssyncadd.s32 $0xFFFFFFC0  }
0x32: {  	v3 =	vld [tilespmem:$0x0];
	_ =	sdelay $0x4  }
0x33: {  	v4 =	vshrl.u32 v3, $0x3  }
0x34: {  	v4 =	vmul.u32 $0x30, v4  }
0x35: {  	v3 =	vand.u32 $0x7, v3  }
0x36: {  	v3 =	vor.u32 v3, v4  }
0x37: {  	v4 =	vperm.xlane v3, v0;
	_ =	sdelay $0x1  }
0x38: {  	v4 =	vadd.s32 v1, v4;
	_ =	sdelay $0x3  }
0x39: {  	v3 =	vperm.xlane v3, v2  }
0x3a: {  	[tilespmem:s8], [sflag:$0x1] =	stream.indirect_vreg.gather [hbm4b:s3+s2], $0x80, v4, vm0, $0xb8;
	[tilespmem:$0x18100] =	vst v63  }
0x3b: {  	s0 =	rddreg [dreg:$0x8];
	v3 =	vadd.s32 v1, v3  }
0x3c: {  	[tilespmem:s0], [sflag:$0x1] =	stream.indirect_vreg.gather [hbm4b:s4+s2], $0x80, v4, vm0, $0xb8;
	[tilespmem:$0x18100] =	vst v63  }
0x3d: {  	s10 =	rddreg [dreg:$0x9]  }
0x3e: {  	[tilespmem:s10], [sflag:$0x1] =	stream.indirect_vreg.gather [hbm4b:s5+s2], $0x80, v4, vm0, $0xb8;
	[tilespmem:$0x18100] =	vst v63  }
0x3f: {  	s0 =	rddreg [dreg:$0xa]  }
0x40: {  	[tilespmem:s0], [sflag:$0x1] =	stream.indirect_vreg.gather [hbm4b:s3+s2], $0x80, v3, vm0, $0xb8;
	[tilespmem:$0x18100] =	vst v63  }
0x41: {  	s10 =	rddreg [dreg:$0xb]  }
0x42: {  	[tilespmem:s10], [sflag:$0x1] =	stream.indirect_vreg.gather [hbm4b:s4+s2], $0x80, v3, vm0, $0xb8;
	[tilespmem:$0x18100] =	vst v63  }
0x43: {  	s0 =	rddreg [dreg:$0xc]  }
0x44: {  	[tilespmem:s0], [sflag:$0x1] =	stream.indirect_vreg.gather [hbm4b:s5+s2], $0x80, v3, vm0, $0xb8;
	[tilespmem:$0x18100] =	vst v63  }
0x45: {  	v3 =	vld [tilespmem:$0x10];
	_ =	sdelay $0x4  }
0x46: {  	v57 =	vshrl.u32 v3, $0x3  }
0x47: {  	v4 =	vmul.u32 $0x30, v57  }
0x48: {  	v3 =	vand.u32 $0x7, v3  }
0x49: {  	v3 =	vor.u32 v3, v4  }
0x4a: {  	v4 =	vperm.xlane v3, v0;
	_ =	sdelay $0x1  }
0x4b: {  	v4 =	vadd.s32 v1, v4;
	_ =	sdelay $0x3  }
0x4c: {  	s0 =	rddreg [dreg:$0xd];
	v3 =	vperm.xlane v3, v2  }
0x4d: {  	[tilespmem:s0], [sflag:$0x1] =	stream.indirect_vreg.gather [hbm4b:s3+s2], $0x80, v4, vm0, $0xb8;
	[tilespmem:$0x18100] =	vst v63  }
0x4e: {  	s10 =	rddreg [dreg:$0xe];
	v3 =	vadd.s32 v1, v3  }
0x4f: {  	[tilespmem:s10], [sflag:$0x1] =	stream.indirect_vreg.gather [hbm4b:s4+s2], $0x80, v4, vm0, $0xb8;
	[tilespmem:$0x18100] =	vst v63  }
0x50: {  	s0 =	rddreg [dreg:$0xf]  }
0x51: {  	[tilespmem:s0], [sflag:$0x1] =	stream.indirect_vreg.gather [hbm4b:s5+s2], $0x80, v4, vm0, $0xb8;
	[tilespmem:$0x18100] =	vst v63  }
0x52: {  	s10 =	rddreg [dreg:$0x10]  }
0x53: {  	[tilespmem:s10], [sflag:$0x1] =	stream.indirect_vreg.gather [hbm4b:s3+s2], $0x80, v3, vm0, $0xb8;
	[tilespmem:$0x18100] =	vst v63  }
0x54: {  	s0 =	rddreg [dreg:$0x11]  }
0x55: {  	[tilespmem:s0], [sflag:$0x1] =	stream.indirect_vreg.gather [hbm4b:s4+s2], $0x80, v3, vm0, $0xb8;
	[tilespmem:$0x18100] =	vst v63  }
0x56: {  	s10 =	rddreg [dreg:$0x12]  }
0x57: {  	[tilespmem:s10], [sflag:$0x1] =	stream.indirect_vreg.gather [hbm4b:s5+s2], $0x80, v3, vm0, $0xb8;
	[tilespmem:$0x18100] =	vst v63  }
0x58: {  	v3 =	vld [tilespmem:$0x20];
	_ =	sdelay $0x4  }
0x59: {  	v58 =	vshrl.u32 v3, $0x3  }
0x5a: {  	v4 =	vmul.u32 $0x30, v58  }
0x5b: {  	v3 =	vand.u32 $0x7, v3  }
0x5c: {  	v3 =	vor.u32 v3, v4  }
0x5d: {  	v4 =	vperm.xlane v3, v0;
	_ =	sdelay $0x1  }
0x5e: {  	v4 =	vadd.s32 v1, v4;
	_ =	sdelay $0x3  }
0x5f: {  	s0 =	rddreg [dreg:$0x13];
	v3 =	vperm.xlane v3, v2  }
0x60: {  	[tilespmem:s0], [sflag:$0x1] =	stream.indirect_vreg.gather [hbm4b:s3+s2], $0x80, v4, vm0, $0xb8;
	[tilespmem:$0x18100] =	vst v63  }
0x61: {  	s10 =	rddreg [dreg:$0x14];
	v3 =	vadd.s32 v1, v3  }
0x62: {  	[tilespmem:s10], [sflag:$0x1] =	stream.indirect_vreg.gather [hbm4b:s4+s2], $0x80, v4, vm0, $0xb8;
	[tilespmem:$0x18100] =	vst v63  }
0x63: {  	s0 =	rddreg [dreg:$0x15]  }
0x64: {  	[tilespmem:s0], [sflag:$0x1] =	stream.indirect_vreg.gather [hbm4b:s5+s2], $0x80, v4, vm0, $0xb8;
	[tilespmem:$0x18100] =	vst v63  }
0x65: {  	s10 =	rddreg [dreg:$0x16]  }
0x66: {  	[tilespmem:s10], [sflag:$0x1] =	stream.indirect_vreg.gather [hbm4b:s3+s2], $0x80, v3, vm0, $0xb8;
	[tilespmem:$0x18100] =	vst v63  }
0x67: {  	s0 =	rddreg [dreg:$0x17]  }
0x68: {  	[tilespmem:s0], [sflag:$0x1] =	stream.indirect_vreg.gather [hbm4b:s4+s2], $0x80, v3, vm0, $0xb8;
	[tilespmem:$0x18100] =	vst v63  }
0x69: {  	s10 =	rddreg [dreg:$0x18]  }
0x6a: {  	[tilespmem:s10], [sflag:$0x1] =	stream.indirect_vreg.gather [hbm4b:s5+s2], $0x80, v3, vm0, $0xb8;
	[tilespmem:$0x18100] =	vst v63  }
0x6b: {  	v3 =	vld [tilespmem:$0x30];
	_ =	sdelay $0x4  }
0x6c: {  	v59 =	vshrl.u32 v3, $0x3  }
0x6d: {  	v4 =	vmul.u32 $0x30, v59  }
0x6e: {  	v3 =	vand.u32 $0x7, v3  }
0x6f: {  	v3 =	vor.u32 v3, v4  }
0x70: {  	v4 =	vperm.xlane v3, v0;
	_ =	sdelay $0x1  }
0x71: {  	v4 =	vadd.s32 v1, v4;
	_ =	sdelay $0x3  }
0x72: {  	s0 =	rddreg [dreg:$0x19];
	v3 =	vperm.xlane v3, v2  }
0x73: {  	[tilespmem:s0], [sflag:$0x1] =	stream.indirect_vreg.gather [hbm4b:s3+s2], $0x80, v4, vm0, $0xb8;
	[tilespmem:$0x18100] =	vst v63  }
0x74: {  	s10 =	rddreg [dreg:$0x1a];
	v3 =	vadd.s32 v1, v3  }
0x75: {  	[tilespmem:s10], [sflag:$0x1] =	stream.indirect_vreg.gather [hbm4b:s4+s2], $0x80, v4, vm0, $0xb8;
	[tilespmem:$0x18100] =	vst v63  }
0x76: {  	s0 =	rddreg [dreg:$0x1b]  }
0x77: {  	[tilespmem:s0], [sflag:$0x1] =	stream.indirect_vreg.gather [hbm4b:s5+s2], $0x80, v4, vm0, $0xb8;
	[tilespmem:$0x18100] =	vst v63  }
0x78: {  	s10 =	rddreg [dreg:$0x1c]  }
0x79: {  	[tilespmem:s10], [sflag:$0x1] =	stream.indirect_vreg.gather [hbm4b:s3+s2], $0x80, v3, vm0, $0xb8;
	[tilespmem:$0x18100] =	vst v63  }
0x7a: {  	s0 =	rddreg [dreg:$0x1d]  }
0x7b: {  	[tilespmem:s0], [sflag:$0x1] =	stream.indirect_vreg.gather [hbm4b:s4+s2], $0x80, v3, vm0, $0xb8;
	[tilespmem:$0x18100] =	vst v63  }
0x7c: {  	s10 =	rddreg [dreg:$0x1e]  }
0x7d: {  	[tilespmem:s10], [sflag:$0x1] =	stream.indirect_vreg.gather [hbm4b:s5+s2], $0x80, v3, vm0, $0xb8;
	[tilespmem:$0x18100] =	vst v63  }
0x7e: {  	v3 =	vld [tilespmem:$0x80];
	_ =	sdelay $0x4  }
0x7f: {  	v60 =	vshrl.u32 v3, $0x3  }
0x80: {  	v4 =	vmul.u32 $0x30, v60  }
0x81: {  	v3 =	vand.u32 $0x7, v3  }
0x82: {  	v3 =	vor.u32 v3, v4  }
0x83: {  	v4 =	vperm.xlane v3, v0;
	_ =	sdelay $0x1  }
0x84: {  	v4 =	vadd.s32 v1, v4;
	_ =	sdelay $0x3  }
0x85: {  	s0 =	rddreg [dreg:$0x1f];
	v3 =	vperm.xlane v3, v2  }
0x86: {  	[tilespmem:s9], [sflag:$0x2] =	stream.indirect_vreg.gather [hbm4b:s3+s2], $0x80, v4, vm0, $0xb8;
	[tilespmem:$0x18100] =	vst v63  }
0x87: {  	s10 =	sld [smem:$0x7FA];
	v3 =	vadd.s32 v1, v3  }
0x88: {  	[tilespmem:s0], [sflag:$0x2] =	stream.indirect_vreg.gather [hbm4b:s4+s2], $0x80, v4, vm0, $0xb8;
	[tilespmem:$0x18100] =	vst v63  }
0x89: {  	s0 =	sld [smem:$0x7FB]  }
0x8a: {  	[tilespmem:s10], [sflag:$0x2] =	stream.indirect_vreg.gather [hbm4b:s5+s2], $0x80, v4, vm0, $0xb8;
	[tilespmem:$0x18100] =	vst v63  }
0x8b: {  	s10 =	sld [smem:$0x7FC]  }
0x8c: {  	[tilespmem:s0], [sflag:$0x2] =	stream.indirect_vreg.gather [hbm4b:s3+s2], $0x80, v3, vm0, $0xb8;
	[tilespmem:$0x18100] =	vst v63  }
0x8d: {  	s0 =	sld [smem:$0x7FD]  }
0x8e: {  	[tilespmem:s10], [sflag:$0x2] =	stream.indirect_vreg.gather [hbm4b:s4+s2], $0x80, v3, vm0, $0xb8;
	[tilespmem:$0x18100] =	vst v63  }
0x8f: {  	_ = 	snop  }
0x90: {  	[tilespmem:s0], [sflag:$0x2] =	stream.indirect_vreg.gather [hbm4b:s5+s2], $0x80, v3, vm0, $0xb8;
	[tilespmem:$0x18100] =	vst v63  }
0x91: {  	v3 =	vld [tilespmem:$0x90];
	_ =	sdelay $0x4  }
0x92: {  	v61 =	vshrl.u32 v3, $0x3  }
0x93: {  	v4 =	vmul.u32 $0x30, v61  }
0x94: {  	v3 =	vand.u32 $0x7, v3  }
0x95: {  	v3 =	vor.u32 v3, v4  }
0x96: {  	v4 =	vperm.xlane v3, v0;
	_ =	sdelay $0x1  }
0x97: {  	v4 =	vadd.s32 v1, v4;
	_ =	sdelay $0x3  }
0x98: {  	s10 =	simm.s32 $0xF100;
	v3 =	vperm.xlane v3, v2  }
0x99: {  	[tilespmem:s10], [sflag:$0x2] =	stream.indirect_vreg.gather [hbm4b:s3+s2], $0x80, v4, vm0, $0xb8;
	[tilespmem:$0x18100] =	vst v63  }
0x9a: {  	v3 =	vadd.s32 v1, v3  }
0x9b: {  	[tilespmem:s11], [sflag:$0x2] =	stream.indirect_vreg.gather [hbm4b:s4+s2], $0x80, v4, vm0, $0xb8;
	[tilespmem:$0x18100] =	vst v63  }
0x9c: {  	_ = 	snop  }
0x9d: {  	[tilespmem:s12], [sflag:$0x2] =	stream.indirect_vreg.gather [hbm4b:s5+s2], $0x80, v4, vm0, $0xb8;
	[tilespmem:$0x18100] =	vst v63  }
0x9e: {  	_ = 	snop  }
0x9f: {  	[tilespmem:s13], [sflag:$0x2] =	stream.indirect_vreg.gather [hbm4b:s3+s2], $0x80, v3, vm0, $0xb8;
	[tilespmem:$0x18100] =	vst v63  }
0xa0: {  	_ = 	snop  }
0xa1: {  	[tilespmem:s14], [sflag:$0x2] =	stream.indirect_vreg.gather [hbm4b:s4+s2], $0x80, v3, vm0, $0xb8;
	[tilespmem:$0x18100] =	vst v63  }
0xa2: {  	_ = 	snop  }
0xa3: {  	[tilespmem:s15], [sflag:$0x2] =	stream.indirect_vreg.gather [hbm4b:s5+s2], $0x80, v3, vm0, $0xb8;
	[tilespmem:$0x18100] =	vst v63  }
0xa4: {  	v3 =	vld [tilespmem:$0xA0];
	_ =	sdelay $0x4  }
0xa5: {  	v62 =	vshrl.u32 v3, $0x3  }
0xa6: {  	v4 =	vmul.u32 $0x30, v62  }
0xa7: {  	v3 =	vand.u32 $0x7, v3  }
0xa8: {  	v3 =	vor.u32 v3, v4  }
0xa9: {  	v4 =	vperm.xlane v3, v0;
	_ =	sdelay $0x1  }
0xaa: {  	v4 =	vadd.s32 v1, v4;
	_ =	sdelay $0x3  }
0xab: {  	v3 =	vperm.xlane v3, v2  }
0xac: {  	[tilespmem:s16], [sflag:$0x2] =	stream.indirect_vreg.gather [hbm4b:s3+s2], $0x80, v4, vm0, $0xb8;
	[tilespmem:$0x18100] =	vst v63  }
0xad: {  	v3 =	vadd.s32 v1, v3  }
0xae: {  	[tilespmem:s17], [sflag:$0x2] =	stream.indirect_vreg.gather [hbm4b:s4+s2], $0x80, v4, vm0, $0xb8;
	[tilespmem:$0x18100] =	vst v63  }
0xaf: {  	_ = 	snop  }
0xb0: {  	[tilespmem:s18], [sflag:$0x2] =	stream.indirect_vreg.gather [hbm4b:s5+s2], $0x80, v4, vm0, $0xb8;
	[tilespmem:$0x18100] =	vst v63  }
0xb1: {  	_ = 	snop  }
0xb2: {  	[tilespmem:s19], [sflag:$0x2] =	stream.indirect_vreg.gather [hbm4b:s3+s2], $0x80, v3, vm0, $0xb8;
	[tilespmem:$0x18100] =	vst v63  }
0xb3: {  	_ = 	snop  }
0xb4: {  	[tilespmem:s20], [sflag:$0x2] =	stream.indirect_vreg.gather [hbm4b:s4+s2], $0x80, v3, vm0, $0xb8;
	[tilespmem:$0x18100] =	vst v63  }
0xb5: {  	_ = 	snop  }
0xb6: {  	[tilespmem:s21], [sflag:$0x2] =	stream.indirect_vreg.gather [hbm4b:s5+s2], $0x80, v3, vm0, $0xb8;
	[tilespmem:$0x18100] =	vst v63  }
0xb7: {  	v3 =	vld [tilespmem:$0xB0];
	_ =	sdelay $0x4  }
0xb8: {  	v63 =	vshrl.u32 v3, $0x3  }
0xb9: {  	v4 =	vmul.u32 $0x30, v63  }
0xba: {  	v3 =	vand.u32 $0x7, v3  }
0xbb: {  	v3 =	vor.u32 v3, v4  }
0xbc: {  	v4 =	vperm.xlane v3, v0;
	_ =	sdelay $0x1  }
0xbd: {  	v4 =	vadd.s32 v1, v4;
	_ =	sdelay $0x3  }
0xbe: {  	v3 =	vperm.xlane v3, v2  }
0xbf: {  	[tilespmem:s22], [sflag:$0x2] =	stream.indirect_vreg.gather [hbm4b:s3+s2], $0x80, v4, vm0, $0xb8;
	[tilespmem:$0x18100] =	vst v63  }
0xc0: {  	v3 =	vadd.s32 v1, v3  }
0xc1: {  	[tilespmem:s23], [sflag:$0x2] =	stream.indirect_vreg.gather [hbm4b:s4+s2], $0x80, v4, vm0, $0xb8;
	[tilespmem:$0x18100] =	vst v63  }
0xc2: {  	_ = 	snop  }
0xc3: {  	[tilespmem:s24], [sflag:$0x2] =	stream.indirect_vreg.gather [hbm4b:s5+s2], $0x80, v4, vm0, $0xb8;
	[tilespmem:$0x18100] =	vst v63  }
0xc4: {  	_ = 	snop  }
0xc5: {  	[tilespmem:s25], [sflag:$0x2] =	stream.indirect_vreg.gather [hbm4b:s3+s2], $0x80, v3, vm0, $0xb8;
	[tilespmem:$0x18100] =	vst v63  }
0xc6: {  	_ = 	snop  }
0xc7: {  	[tilespmem:s26], [sflag:$0x2] =	stream.indirect_vreg.gather [hbm4b:s4+s2], $0x80, v3, vm0, $0xb8;
	[tilespmem:$0x18100] =	vst v63  }
0xc8: {  	_ = 	snop  }
0xc9: {  	[tilespmem:s28], [sflag:$0x2] =	stream.indirect_vreg.gather [hbm4b:s5+s2], $0x80, v3, vm0, $0xb8;
	[tilespmem:$0x18100] =	vst v63  }
0xca: {  	_ =	swait.ge [sflag:s29], $0xC000  }
0xcb: {  	[sflag:s29] =	ssyncset.done $0x0  }
0xcc: {  	s10 =	rddreg [dreg:$0x5];
	[sflag:s29] =	ssyncadd.s32 $0xFFFF4000  }
0xcd: {  	[hbm4b:s10+s2] =	stream.linear.scatter [tilespmem:s8], [sflag:$0x3], $0xC000, $0x38;
	[tilespmem:$0x18100] =	vst v63  }
0xce: {  	_ =	swait.ge [sflag:s30], $0xC000  }
0xcf: {  	[sflag:s30] =	ssyncset.done $0x0  }
0xd0: {  	s10 =	rddreg [dreg:$0x6];
	[sflag:s30] =	ssyncadd.s32 $0xFFFF4000  }
0xd1: {  	[hbm4b:s10+s2] =	stream.linear.scatter [tilespmem:s9], [sflag:$0x4], $0xC000, $0x38;
	[tilespmem:$0x18100] =	vst v63  }
0xd2: {  	p0 =	sne.s32 s6, $0x1;
	_ =	swait.ge [sflag:s31], $0xC000  }
.Ltmp0:
0xd3: {  	[sflag:s31] =	ssyncset.done $0x0;
	(pc) =	sbr.rel @p0 .LBB2_1-.Ltmp0, $4  }
0xd4: {  	[sflag:s31] =	ssyncadd.s32 $0xFFFF4000  }
0xd5: {  	_ =	swait.ge [sflag:s1], $0xC000  }
0xd6: {  	[sflag:s1] =	ssyncset.done $0x0  }
0xd7: {  	s6 =	sadd.s32 $0xFFFFFFFF, s6;
	[sflag:s1] =	ssyncadd.s32 $0xFFFF4000  }
0xd8: {  	_ =	sfence.sel $0x180000  }
0xd9: {  	[bflag:$0x0] =	sbarrier.arrive $0xFFFF  }
0xda: {  	_ =	strace $0x9000004A  }
0xdb: {  	s0 =	stileid.u32;
	[bflag:$0x2] =	sbarrier.arrive $0xFFFF  }
0xdc: {  	p0 =	sne.s32 s0, $0x0;
	s0 =	rddreg [dreg:$0x2]  }
0xdd: {  	s0 =	sadd.s32 @!p0 $0x100000, s0  }
0xde: {  	[sflag:s0] =	ssyncadd.tile.s32 @!p0 $0x1;
	_ =	shalt  }
.Lfunc_end2:
_tile_overlayer_lowered:
.L_overlay_start_2:
0xdf: {  	(tag) =	ssettag $0x2  }
0xe0: {  	s0 =	rddreg [dreg:$0x0];
	s2 =	stileid.u32  }
0xe1: {  	s1 =	rddreg [dreg:$0x1];
	p0 =	sne.s32 s2, $0x0  }
0xe2: {  	s3 =	rddreg [dreg:$0x2];
	[bflag:$0x3] =	sbarrier.arrive $0xFFFF;
	s2 =	simm.s32 @!p0 $0x1C05  }
0xe3: {  	[timem:s3], [sflag:s2] =	dma.local @!p0 [hbm:s0], s1  }
0xe4: {  	s0 =	simm.s32 @!p0 $0x5  }
0xe5: {  	_ =	swait.ge @!p0 [sflag:s0], s1  }
0xe6: {  	s1 =	ssub.s32 @!p0 $0x0, s1;
	[sflag:s0] =	ssyncset.done @!p0 $0x0  }
0xe7: {  	[sflag:s0] =	ssyncadd.s32 @!p0 s1  }
0xe8: {  	[bflag:$0x3] =	sbarrier.arrive $0xFFFF  }
0xe9: {  	_ =	shalt  }

// kernel: kernel.9.cloned.1.call-start
scs
__scs_entry_jumppad:
0x0: {  	(pc) =	sbr.rel $0x88, $3  }
0x1: {  	(tag) =	ssettag $0x0;
	lr =	simm.s32 $0x1  }
0x2: {  	[smem:$0x3F98] =	sst lr;
	_ =	strace $0xD0000000  }
0x3: {  	_ = 	snop  }
0x4: {  	_ = 	snop  }
0x5: {  	_ = 	snop  }
0x6: {  	_ = 	snop  }
0x7: {  	_ = 	snop  }
__scs_overlays_trampoline_lowered:
0x8: {  	[smem:$0x3FA7] =	sst s0  }
0x9: {  	[smem:$0x3FA8] =	sst s1  }
0xa: {  	[smem:$0x3FA9] =	sst s2  }
0xb: {  	[smem:$0x3FAA] =	sst s3  }
0xc: {  	[smem:$0x3FAB] =	sst s4  }
0xd: {  	[smem:$0x3FAC] =	sst s5  }
0xe: {  	[smem:$0x3FAD] =	sst s6  }
0xf: {  	[smem:$0x3FAE] =	sst s7  }
0x10: {  	[smem:$0x3FAF] =	sst s8  }
0x11: {  	[smem:$0x3FB0] =	sst s9;
	s0 =	simm.s32 @!p0 $0x0  }
0x12: {  	s1 =	sld [smem:$0x3F96];
	s0 =	simm.s32 @p0 $0x1  }
0x13: {  	[smem:$0x3FB1] =	sst s0;
	s0 =	simm.s32 @!p1 $0x0  }
0x14: {  	s2 =	sld [smem:$0x3F95];
	s0 =	simm.s32 @p1 $0x1  }
0x15: {  	[smem:$0x3FB2] =	sst s0;
	s0 =	simm.s32 @!p2 $0x0  }
0x16: {  	s3 =	sld [smem:$0x3FDB];
	s0 =	simm.s32 @p2 $0x1  }
0x17: {  	s4 =	simm.s32 $0x1BF5;
	[smem:$0x3FB4] =	sst s0  }
0x18: {  	s0 =	sld [smem:$0x3F97];
	_ =	swait.ge [sflag:s4], $0x0  }
0x19: {  	s7 =	sld [smem:$0x3F98]  }
0x1a: {  	s8 =	sadd.s32 $0xFFFFE003, lr  }
0x1b: {  	s9 =	sadd.s32 $0xFFFFFEF7, lr;
	s5 =	simm.s32 $0xFFFFFFFF;
	p2 =	slt.u32 s8, $0xFFFFF086  }
0x1c: {  	p1 =	slt.u32 s9, $0xF7A;
	s5 =	simm.s32 @!p2 $0x0  }
0x1d: {  	s5 =	simm.s32 @p1 $0x1;
	p0 =	seq.s32 s7, s2  }
0x1e: {  	s7 =	smul.u32 @!p0 $0xF7A, s2;
	p2 =	seq.s32 @!p0 s5, $0x0  }
0x1f: {  	s9 =	smul.u32 $0xF7A, s1;
	s8 =	simm.s32 @!p0 $0x1BF5;
	p2 =	por !p2, p0  }
0x20: {  	[sflag:s8] =	ssyncset.s32 @!p0 $0xFFFFF086;
	s6 =	sadd.s32 @!p0 s3, s7;
	s7 =	simm.s32 @!p0 $0x108  }
0x21: {  	s3 =	sadd.s32 s3, s9;
	s6 =	sadd.s32 @!p0 $0x88, s6;
	s7 =	simm.s32 @p2 $0x1082  }
0x22: {  	[simem:s7], [sflag:s8] =	dma.local @!p0 [hbm:s6], $0xF7A  }
0x23: {  	s9 =	sor.u32 $0xD0000000, s2;
	s6 =	simm.s32 $0x108;
	_ =	swait.ge @!p0 [sflag:s8], $0x0  }
0x24: {  	s3 =	sadd.s32 $0x88, s3;
	s6 =	simm.s32 @!p1 $0x1082;
	[sflag:s4] =	ssyncset.s32 $0xFFFFF086  }
0x25: {  	[simem:s6], [sflag:s4] =	dma.local [hbm:s3], $0xF7A  }
0x26: {  	[smem:$0x3F98] =	sst s1;
	(tag) =	ssettag s2;
	_ =	strace s9  }
0x27: {  	s1 =	sld [smem:$0x3FA8]  }
0x28: {  	s2 =	sld [smem:$0x3FA9]  }
0x29: {  	s4 =	sld [smem:$0x3FAB]  }
0x2a: {  	p0 =	seq.s32 s5, $0x0;
	s5 =	sld [smem:$0x3FAC]  }
0x2b: {  	s6 =	sld [smem:$0x3FAD]  }
0x2c: {  	s7 =	sld [smem:$0x3FAE]  }
0x2d: {  	s3 =	simm.s32 $0x108;
	s8 =	sld [smem:$0x3FAF]  }
0x2e: {  	s3 =	simm.s32 @!p0 $0x1082;
	s9 =	sld [smem:$0x3FB0]  }
0x2f: {  	lr =	sadd.s32 s0, s3;
	s0 =	sld [smem:$0x3FA7]  }
0x30: {  	s3 =	sld [smem:$0x3FAA]  }
0x31: {  	[smem:$0x3FB3] =	sst s10  }
0x32: {  	s10 =	sld [smem:$0x3FB1];
	_ =	sdelay $0x3  }
0x33: {  	p0 =	seq.s32 s10, $0x1;
	s10 =	sld [smem:$0x3FB3];
	_ =	sdelay $0x3  }
0x34: {  	[smem:$0x3FB3] =	sst s10  }
0x35: {  	s10 =	sld [smem:$0x3FB2];
	_ =	sdelay $0x3  }
0x36: {  	p1 =	seq.s32 s10, $0x1;
	s10 =	sld [smem:$0x3FB3];
	_ =	sdelay $0x3  }
0x37: {  	[smem:$0x3FB3] =	sst s10  }
0x38: {  	s10 =	sld [smem:$0x3FB4]  }
0x39: {  	_ = 	snop;
	(pc) =	sbr.ind lr, $3  }
0x3a: {  	_ = 	snop  }
0x3b: {  	_ = 	snop  }
0x3c: {  	p2 =	seq.s32 s10, $0x1;
	s10 =	sld [smem:$0x3FB3]  }
0x3d: {  	_ =	shalt  }
0x3e: {  	_ =	shalt  }
0x3f: {  	_ =	shalt  }
0x40: {  	_ =	shalt  }
0x41: {  	_ =	shalt  }
0x42: {  	_ =	shalt  }
0x43: {  	_ =	shalt  }
0x44: {  	_ =	shalt  }
0x45: {  	_ =	shalt  }
0x46: {  	_ =	shalt  }
0x47: {  	_ =	shalt  }
0x48: {  	_ =	shalt  }
0x49: {  	_ =	shalt  }
0x4a: {  	_ =	shalt  }
0x4b: {  	_ =	shalt  }
0x4c: {  	_ =	shalt  }
0x4d: {  	_ =	shalt  }
0x4e: {  	_ =	shalt  }
0x4f: {  	_ =	shalt  }
0x50: {  	_ =	shalt  }
0x51: {  	_ =	shalt  }
0x52: {  	_ =	shalt  }
0x53: {  	_ =	shalt  }
0x54: {  	_ =	shalt  }
0x55: {  	_ =	shalt  }
0x56: {  	_ =	shalt  }
0x57: {  	_ =	shalt  }
0x58: {  	_ =	shalt  }
0x59: {  	_ =	shalt  }
0x5a: {  	_ =	shalt  }
0x5b: {  	_ =	shalt  }
0x5c: {  	_ =	shalt  }
0x5d: {  	_ =	shalt  }
0x5e: {  	_ =	shalt  }
0x5f: {  	_ =	shalt  }
0x60: {  	_ =	shalt  }
0x61: {  	_ =	shalt  }
0x62: {  	_ =	shalt  }
0x63: {  	_ =	shalt  }
0x64: {  	_ =	shalt  }
0x65: {  	_ =	shalt  }
0x66: {  	_ =	shalt  }
0x67: {  	_ =	shalt  }
0x68: {  	_ =	shalt  }
0x69: {  	_ =	shalt  }
0x6a: {  	_ =	shalt  }
0x6b: {  	_ =	shalt  }
0x6c: {  	_ =	shalt  }
0x6d: {  	_ =	shalt  }
0x6e: {  	_ =	shalt  }
0x6f: {  	_ =	shalt  }
0x70: {  	_ =	shalt  }
0x71: {  	_ =	shalt  }
0x72: {  	_ =	shalt  }
0x73: {  	_ =	shalt  }
0x74: {  	_ =	shalt  }
0x75: {  	_ =	shalt  }
0x76: {  	_ =	shalt  }
0x77: {  	_ =	shalt  }
0x78: {  	_ =	shalt  }
0x79: {  	_ =	shalt  }
0x7a: {  	_ =	shalt  }
0x7b: {  	_ =	shalt  }
0x7c: {  	_ =	shalt  }
0x7d: {  	_ =	shalt  }
0x7e: {  	_ =	shalt  }
0x7f: {  	_ =	shalt  }
0x80: {  	_ =	shalt  }
0x81: {  	_ =	shalt  }
0x82: {  	_ =	shalt  }
0x83: {  	_ =	shalt  }
0x84: {  	_ =	shalt  }
0x85: {  	_ =	shalt  }
0x86: {  	_ =	shalt  }
0x87: {  	_ =	shalt  }
.Lfunc_end0:
.L_simem_size_0:
called_computation_lowered:
.L_overlay_start_0:
0x88: {  	s2 =	sld [smem:$0x3FD9]  }
0x89: {  	s3 =	sld [smem:$0x3FFE];
	_ =	sdelay $0x1  }
0x8a: {  	s1 =	srdreg.scid  }
0x8b: {  	s0 =	sand.u32 $0x1, s1  }
0x8c: {  	s17 =	sshll.u32 s0, $0xA;
	s2 =	sadd.s32 s3, s2  }
0x8d: {  	s2 =	sadd.s32 s2, s17  }
0x8e: {  	[smem:$0x3FBF] =	sst s2  }
0x8f: {  	_ = 	snop  }
0x90: {  	s2 =	sld [smem:$0x3FC9]  }
0x91: {  	s18 =	sld [smem:$0x3FD0];
	(tm) =	ssettm $0x1  }
0x92: {  	s4 =	sld [smem:$0x3FFB];
	_ =	sdelay $0x3  }
0x93: {  	_ =	strace s4  }
0x94: {  	s4 =	sld [smem:$0x3FFC];
	_ =	sdelay $0x3  }
0x95: {  	_ =	strace s4  }
0x96: {  	s4 =	sld [smem:$0x3FFD];
	_ =	sdelay $0x3  }
0x97: {  	_ =	strace s4  }
0x98: {  	_ =	strace $0x8FFFFFFF  }
0x99: {  	s19 =	sld [smem:$0x3FDB];
	_ =	sdelay $0x1  }
0x9a: {  	s5 =	simm.s32 $_scs_section_size  }
0x9b: {  	s6 =	simm.s32 $_size__tile_overlayer_lowered;
	s7 =	simm.s32 $_tile_overlayer_lowered  }
0x9c: {  	s22 =	simm.s32 $0x1BFF;
	s21 =	sshll.u32 s7, $0x1;
	s4 =	sadd.s32 s5, s19  }
0x9d: {  	s8 =	simm.s32 $0x0;
	s20 =	sshll.u32 s6, $0x1;
	s6 =	sadd.s32 s21, s4  }
0x9e: {  	[timem:s8], [sflag:s22] =	dma.local [hbm:s6], s20  }
0x9f: {  	_ =	swait.ge [sflag:s22], s20  }
0xa0: {  	s5 =	ssub.s32 $0x0, s20;
	[sflag:s22] =	ssyncset.done $0x0  }
0xa1: {  	[sflag:s22] =	ssyncadd.s32 s5;
	_ =	sdelay $0x1  }
0xa2: {  	s23 =	simm.s32 $0x1B8B  }
0xa3: {  	_ =	swait.ge [sflag:s23], $0x1  }
0xa4: {  	[sflag:s23] =	ssyncset.done $0x0  }
0xa5: {  	s25 =	simm.s32 $0x1B8E;
	s24 =	sld [smem:$0x3FFE];
	[sflag:s23] =	ssyncadd.s32 $0xFFFFFFFF  }
0xa6: {  	s26 =	simm.s32 $execute0_lowered;
	[smem:$0x3FD2] =	sst s25  }
0xa7: {  	s6 =	sshll.u32 s26, $0x1;
	_ =	strace $0x80000046;
	[dreg:$0x1] =	wrdreg $0xFFFFFFFF  }
0xa8: {  	s28 =	simm.s32 $_size_execute0_lowered;
	s4 =	sadd.s32 s4, s6;
	[dreg:$0x0] =	wrdreg $0x0  }
0xa9: {  	s6 =	sshll.u32 s28, $0x1;
	[dreg:$0x2] =	wrdreg s4  }
0xaa: {  	[dreg:$0x3] =	wrdreg s6  }
0xab: {  	[dreg:$0x4] =	wrdreg $0xC0  }
0xac: {  	_ =	task [dreg:s8], $0x5FFFF  }
0xad: {  	[dreg:$0x1] =	wrdreg $0xFFFFFFFF  }
0xae: {  	[dreg:$0x0] =	wrdreg $0x60  }
0xaf: {  	[dreg:$0x2] =	wrdreg s2  }
0xb0: {  	[dreg:$0x3] =	wrdreg s18  }
0xb1: {  	[dreg:$0x4] =	wrdreg s24  }
0xb2: {  	[dreg:$0x5] =	wrdreg $0x9  }
0xb3: {  	_ =	task.clear_ibuf [dreg:s8], $0x6FFFF;
	_ =	strace $0x90000046  }
0xb4: {  	s29 =	simm.s32 $0x9;
	_ =	strace $0x80000048  }
0xb5: {  	_ =	swait.ge [sflag:s29], $0x1  }
0xb6: {  	[sflag:s29] =	ssyncadd.s32 $0xFFFFFFFF  }
0xb7: {  	_ =	strace $0x90000048  }
0xb8: {  	_ =	sfence  }
0xb9: {  	s30 =	sld [smem:$0x0];
	_ =	sdelay $0x2  }
0xba: {  	s31 =	sshll.u32 s1, $0xD;
	s1 =	sshrl.u32 s1, $0x2  }
0xbb: {  	s3 =	sand.u32 $0x4000, s31;
	s1 =	sadd.s32 s1, s30  }
0xbc: {  	s0 =	sor.u32 s3, s0;
	s1 =	sshll.u32 s1, $0x11  }
0xbd: {  	s0 =	sor.u32 s1, s0  }
0xbe: {  	s0 =	sadd.s32 $0x8F2B, s0  }
0xbf: {  	[sflag:s0] =	ssyncadd.remote.s32 $0x1  }
0xc0: {  	_ =	sfence.sel $0xFFFF  }
0xc1: {  	[dreg:$0x0] =	wrdreg $0xFFFFFFFF;
	(pc) =	sbr.abs _section_cstart, $3  }
0xc2: {  	[dreg:$0x1] =	wrdreg $0xFFFFFFFF  }
0xc3: {  	_ =	task.clear_ibuf [dreg:s8], $0x2FFFF;
	_ =	strace $0x9FFFFFFF  }
0xc4: {  	(tm) =	ssettm $0x7FFFFFFF  }
0xc5: {  	_ =	shalt  }
tec
execute0_lowered:
.L_overlay_start_1:
0x0: {  	(tag) =	ssettag $0x1  }
0x1: {  	s1 =	srdreg.scid;
	s0 =	stileid.u32  }
0x2: {  	s1 =	sand.u32 $0x1, s1;
	s2 =	sshll.u32 s0, $0x1  }
0x3: {  	s3 =	sor.u32 s1, s2  }
0x4: {  	s4 =	rddreg [dreg:$0x1];
	s3 =	smul.u32 $0xA0, s3  }
0x5: {  	s5 =	rddreg [dreg:$0x2]  }
0x6: {  	s2 =	rddreg [dreg:$0x0];
	s6 =	sshrl.u32 s3, $0x3;
	s3 =	simm.s32 $0x0  }
0x7: {  	s9 =	simm.s32 $0x80;
	[smem:$0x7FF] =	sst s3  }
0x8: {  	s10 =	simm.s32 $0x900;
	_ =	strace $0x80000047;
	[dreg:$0x7] =	wrdreg s9  }
0x9: {  	s11 =	simm.s32 $0x1100;
	[dreg:$0x8] =	wrdreg s10  }
0xa: {  	s12 =	simm.s32 $0x1900;
	[dreg:$0x9] =	wrdreg s11  }
0xb: {  	s13 =	simm.s32 $0x2100;
	[dreg:$0xa] =	wrdreg s12  }
0xc: {  	s14 =	simm.s32 $0x2900;
	[dreg:$0xb] =	wrdreg s13  }
0xd: {  	s15 =	simm.s32 $0x3100;
	[dreg:$0xc] =	wrdreg s14  }
0xe: {  	s16 =	simm.s32 $0x3900;
	[dreg:$0xd] =	wrdreg s15  }
0xf: {  	s17 =	simm.s32 $0x4100;
	[dreg:$0xe] =	wrdreg s16  }
0x10: {  	s18 =	simm.s32 $0x4900;
	[dreg:$0xf] =	wrdreg s17  }
0x11: {  	s19 =	simm.s32 $0x5100;
	[dreg:$0x10] =	wrdreg s18  }
0x12: {  	s20 =	simm.s32 $0x5900;
	[dreg:$0x11] =	wrdreg s19  }
0x13: {  	s21 =	simm.s32 $0x6100;
	[dreg:$0x12] =	wrdreg s20  }
0x14: {  	s22 =	simm.s32 $0x6900;
	[dreg:$0x13] =	wrdreg s21  }
0x15: {  	s23 =	simm.s32 $0x7100;
	[dreg:$0x14] =	wrdreg s22  }
0x16: {  	s24 =	simm.s32 $0x7900;
	[dreg:$0x15] =	wrdreg s23  }
0x17: {  	s25 =	simm.s32 $0x8100;
	[dreg:$0x16] =	wrdreg s24  }
0x18: {  	s26 =	simm.s32 $0x8900;
	[dreg:$0x17] =	wrdreg s25  }
0x19: {  	s0 =	simm.s32 $0x9100;
	s4 =	sadd.s32 s4, s6;
	[dreg:$0x18] =	wrdreg s26  }
0x1a: {  	s7 =	smul.u32 $0x300, s6;
	s6 =	sadd.s32 $0xA, s4;
	[dreg:$0x19] =	wrdreg s0  }
0x1b: {  	s9 =	simm.s32 $0xB100;
	[dreg:$0x4] =	wrdreg s6  }
0x1c: {  	s10 =	simm.s32 $0xB900;
	[dreg:$0x1d] =	wrdreg s9  }
0x1d: {  	s11 =	simm.s32 $0xC100;
	[dreg:$0x1e] =	wrdreg s10  }
0x1e: {  	s12 =	simm.s32 $0xC900;
	[dreg:$0x1f] =	wrdreg s11  }
0x1f: {  	s13 =	simm.s32 $0xD100;
	[smem:$0x7EF] =	sst s12  }
0x20: {  	s14 =	simm.s32 $0xD900;
	[smem:$0x7F0] =	sst s13  }
0x21: {  	s15 =	simm.s32 $0xE100;
	[smem:$0x7F1] =	sst s14  }
0x22: {  	s28 =	simm.s32 $0x1C900;
	s16 =	simm.s32 $0xE900;
	[smem:$0x7F2] =	sst s15  }
0x23: {  	s29 =	simm.s32 $0x1D100;
	s17 =	simm.s32 $0xF900;
	[smem:$0x7F3] =	sst s16  }
0x24: {  	s30 =	simm.s32 $0x1D900;
	s18 =	simm.s32 $0x10100;
	[smem:$0x7F4] =	sst s17  }
0x25: {  	s31 =	simm.s32 $0x1;
	s19 =	simm.s32 $0x10900;
	[smem:$0x7F5] =	sst s18  }
0x26: {  	s1 =	ssub.s32 $0x2, s1;
	s20 =	simm.s32 $0x11100;
	[smem:$0x7F6] =	sst s19  }
0x27: {  	s21 =	sshrl.u32 s1, $0x1;
	s22 =	simm.s32 $0x11900;
	[smem:$0x7F7] =	sst s20  }
0x28: {  	s23 =	simm.s32 $0x12100;
	s24 =	simm.s32 $0x12900;
	[smem:$0x7F8] =	sst s22  }
0x29: {  	s25 =	simm.s32 $0x13900;
	s26 =	simm.s32 $0x14100;
	[smem:$0x7F9] =	sst s23  }
0x2a: {  	s5 =	sadd.s32 s7, s5;
	s6 =	simm.s32 $0x9900;
	[smem:$0x7FA] =	sst s24  }
0x2b: {  	s7 =	simm.s32 $0xA100;
	s1 =	ssub.s32 s1, s21;
	[smem:$0x7FC] =	sst s25  }
0x2c: {  	s9 =	simm.s32 $0x100;
	s10 =	simm.s32 $0xF100;
	[smem:$0x7FD] =	sst s26  }
0x2d: {  	s12 =	simm.s32 $0x15100;
	s13 =	simm.s32 $0x15900;
	s14 =	simm.s32 $0x16100  }
0x2e: {  	s15 =	simm.s32 $0x16900;
	s16 =	simm.s32 $0x17100;
	s17 =	simm.s32 $0x17900  }
0x2f: {  	s18 =	simm.s32 $0x18100;
	s19 =	simm.s32 $0x18900;
	s20 =	simm.s32 $0x19100  }
0x30: {  	s21 =	simm.s32 $0x19900;
	s22 =	simm.s32 $0x1A100;
	s23 =	simm.s32 $0x1A900  }
0x31: {  	s24 =	simm.s32 $0x1B100;
	s25 =	simm.s32 $0x1B900;
	[dreg:$0x1a] =	wrdreg s6  }
0x32: {  	s26 =	simm.s32 $0x1C100;
	s8 =	sadd.s32 $0x1400, s5;
	[dreg:$0x1b] =	wrdreg s7  }
0x33: {  	s5 =	sadd.s32 $0x3200, s5;
	s6 =	sadd.s32 $0x200, s2;
	[dreg:$0x5] =	wrdreg s8  }
0x34: {  	v2 =	vlaneseq.u32;
	s7 =	smax.u32 s1, $0x1;
	[dreg:$0x6] =	wrdreg s5;
	s8 =	simm.s32 $0xA900  }
0x35: {  	vm0 =	vmmov $0xffff;
	v1 =	vshrl.u32 v2, $0x3;
	s1 =	simm.s32 $0x2;
	[dreg:$0x1c] =	wrdreg s8;
	s8 =	simm.s32 $0x13100  }
0x36: {  	v0 =	vand.u32 $0x7, v2;
	v2 =	vor.u32 $0x8, v2;
	v1 =	vmul.u32 $0x8, v1;
	s5 =	sadd.s32 $0x100, s2;
	[smem:$0x7FB] =	sst s8;
	s8 =	simm.s32 $0x3  }
.LBB2_1:
0x37: {  	[tilespmem:s3], [sflag:$0x3] =	stream.linear.gather [hbm4b:s4+s3], $0x50, $0x38;
	[tilespmem:$0x1E100] =	vst v63  }
0x38: {  	_ =	swait.ge [sflag:s8], $0x50  }
0x39: {  	s0 =	rddreg [dreg:$0x4];
	[sflag:s8] =	ssyncset.done $0x0  }
0x3a: {  	s11 =	rddreg [dreg:$0x7];
	[sflag:s8] =	ssyncadd.s32 $0xFFFFFFB0  }
0x3b: {  	[tilespmem:s11], [sflag:$0x3] =	stream.linear.gather [hbm4b:s0+s3], $0x50, $0x38;
	[tilespmem:$0x1E100] =	vst v63  }
0x3c: {  	_ =	swait.ge [sflag:s8], $0x50  }
0x3d: {  	[sflag:s8] =	ssyncset.done $0x0  }
0x3e: {  	[sflag:s8] =	ssyncadd.s32 $0xFFFFFFB0  }
0x3f: {  	v3 =	vld [tilespmem:$0x0];
	_ =	sdelay $0x4  }
0x40: {  	v4 =	vshrl.u32 v3, $0x3  }
0x41: {  	v4 =	vmul.u32 $0x30, v4  }
0x42: {  	v3 =	vand.u32 $0x7, v3  }
0x43: {  	v3 =	vor.u32 v3, v4  }
0x44: {  	v4 =	vperm.xlane v3, v0;
	_ =	sdelay $0x1  }
0x45: {  	v4 =	vadd.s32 v1, v4;
	_ =	sdelay $0x3  }
0x46: {  	v3 =	vperm.xlane v3, v2  }
0x47: {  	[tilespmem:s9], [sflag:$0x1] =	stream.indirect_vreg.gather [hbm4b:s2+s3], $0x80, v4, vm0, $0xb8;
	[tilespmem:$0x1E100] =	vst v63  }
0x48: {  	s0 =	rddreg [dreg:$0x8];
	v3 =	vadd.s32 v1, v3  }
0x49: {  	[tilespmem:s0], [sflag:$0x1] =	stream.indirect_vreg.gather [hbm4b:s5+s3], $0x80, v4, vm0, $0xb8;
	[tilespmem:$0x1E100] =	vst v63  }
0x4a: {  	s11 =	rddreg [dreg:$0x9]  }
0x4b: {  	[tilespmem:s11], [sflag:$0x1] =	stream.indirect_vreg.gather [hbm4b:s6+s3], $0x80, v4, vm0, $0xb8;
	[tilespmem:$0x1E100] =	vst v63  }
0x4c: {  	s0 =	rddreg [dreg:$0xa]  }
0x4d: {  	[tilespmem:s0], [sflag:$0x1] =	stream.indirect_vreg.gather [hbm4b:s2+s3], $0x80, v3, vm0, $0xb8;
	[tilespmem:$0x1E100] =	vst v63  }
0x4e: {  	s11 =	rddreg [dreg:$0xb]  }
0x4f: {  	[tilespmem:s11], [sflag:$0x1] =	stream.indirect_vreg.gather [hbm4b:s5+s3], $0x80, v3, vm0, $0xb8;
	[tilespmem:$0x1E100] =	vst v63  }
0x50: {  	s0 =	rddreg [dreg:$0xc]  }
0x51: {  	[tilespmem:s0], [sflag:$0x1] =	stream.indirect_vreg.gather [hbm4b:s6+s3], $0x80, v3, vm0, $0xb8;
	[tilespmem:$0x1E100] =	vst v63  }
0x52: {  	v3 =	vld [tilespmem:$0x10];
	_ =	sdelay $0x4  }
0x53: {  	v55 =	vshrl.u32 v3, $0x3  }
0x54: {  	v4 =	vmul.u32 $0x30, v55  }
0x55: {  	v3 =	vand.u32 $0x7, v3  }
0x56: {  	v3 =	vor.u32 v3, v4  }
0x57: {  	v4 =	vperm.xlane v3, v0;
	_ =	sdelay $0x1  }
0x58: {  	v4 =	vadd.s32 v1, v4;
	_ =	sdelay $0x3  }
0x59: {  	s0 =	rddreg [dreg:$0xd];
	v3 =	vperm.xlane v3, v2  }
0x5a: {  	[tilespmem:s0], [sflag:$0x1] =	stream.indirect_vreg.gather [hbm4b:s2+s3], $0x80, v4, vm0, $0xb8;
	[tilespmem:$0x1E100] =	vst v63  }
0x5b: {  	s11 =	rddreg [dreg:$0xe];
	v3 =	vadd.s32 v1, v3  }
0x5c: {  	[tilespmem:s11], [sflag:$0x1] =	stream.indirect_vreg.gather [hbm4b:s5+s3], $0x80, v4, vm0, $0xb8;
	[tilespmem:$0x1E100] =	vst v63  }
0x5d: {  	s0 =	rddreg [dreg:$0xf]  }
0x5e: {  	[tilespmem:s0], [sflag:$0x1] =	stream.indirect_vreg.gather [hbm4b:s6+s3], $0x80, v4, vm0, $0xb8;
	[tilespmem:$0x1E100] =	vst v63  }
0x5f: {  	s11 =	rddreg [dreg:$0x10]  }
0x60: {  	[tilespmem:s11], [sflag:$0x1] =	stream.indirect_vreg.gather [hbm4b:s2+s3], $0x80, v3, vm0, $0xb8;
	[tilespmem:$0x1E100] =	vst v63  }
0x61: {  	s0 =	rddreg [dreg:$0x11]  }
0x62: {  	[tilespmem:s0], [sflag:$0x1] =	stream.indirect_vreg.gather [hbm4b:s5+s3], $0x80, v3, vm0, $0xb8;
	[tilespmem:$0x1E100] =	vst v63  }
0x63: {  	s11 =	rddreg [dreg:$0x12]  }
0x64: {  	[tilespmem:s11], [sflag:$0x1] =	stream.indirect_vreg.gather [hbm4b:s6+s3], $0x80, v3, vm0, $0xb8;
	[tilespmem:$0x1E100] =	vst v63  }
0x65: {  	v3 =	vld [tilespmem:$0x20];
	_ =	sdelay $0x4  }
0x66: {  	v56 =	vshrl.u32 v3, $0x3  }
0x67: {  	v4 =	vmul.u32 $0x30, v56  }
0x68: {  	v3 =	vand.u32 $0x7, v3  }
0x69: {  	v3 =	vor.u32 v3, v4  }
0x6a: {  	v4 =	vperm.xlane v3, v0;
	_ =	sdelay $0x1  }
0x6b: {  	v4 =	vadd.s32 v1, v4;
	_ =	sdelay $0x3  }
0x6c: {  	s0 =	rddreg [dreg:$0x13];
	v3 =	vperm.xlane v3, v2  }
0x6d: {  	[tilespmem:s0], [sflag:$0x1] =	stream.indirect_vreg.gather [hbm4b:s2+s3], $0x80, v4, vm0, $0xb8;
	[tilespmem:$0x1E100] =	vst v63  }
0x6e: {  	s11 =	rddreg [dreg:$0x14];
	v3 =	vadd.s32 v1, v3  }
0x6f: {  	[tilespmem:s11], [sflag:$0x1] =	stream.indirect_vreg.gather [hbm4b:s5+s3], $0x80, v4, vm0, $0xb8;
	[tilespmem:$0x1E100] =	vst v63  }
0x70: {  	s0 =	rddreg [dreg:$0x15]  }
0x71: {  	[tilespmem:s0], [sflag:$0x1] =	stream.indirect_vreg.gather [hbm4b:s6+s3], $0x80, v4, vm0, $0xb8;
	[tilespmem:$0x1E100] =	vst v63  }
0x72: {  	s11 =	rddreg [dreg:$0x16]  }
0x73: {  	[tilespmem:s11], [sflag:$0x1] =	stream.indirect_vreg.gather [hbm4b:s2+s3], $0x80, v3, vm0, $0xb8;
	[tilespmem:$0x1E100] =	vst v63  }
0x74: {  	s0 =	rddreg [dreg:$0x17]  }
0x75: {  	[tilespmem:s0], [sflag:$0x1] =	stream.indirect_vreg.gather [hbm4b:s5+s3], $0x80, v3, vm0, $0xb8;
	[tilespmem:$0x1E100] =	vst v63  }
0x76: {  	s11 =	rddreg [dreg:$0x18]  }
0x77: {  	[tilespmem:s11], [sflag:$0x1] =	stream.indirect_vreg.gather [hbm4b:s6+s3], $0x80, v3, vm0, $0xb8;
	[tilespmem:$0x1E100] =	vst v63  }
0x78: {  	v3 =	vld [tilespmem:$0x30];
	_ =	sdelay $0x4  }
0x79: {  	v57 =	vshrl.u32 v3, $0x3  }
0x7a: {  	v4 =	vmul.u32 $0x30, v57  }
0x7b: {  	v3 =	vand.u32 $0x7, v3  }
0x7c: {  	v3 =	vor.u32 v3, v4  }
0x7d: {  	v4 =	vperm.xlane v3, v0;
	_ =	sdelay $0x1  }
0x7e: {  	v4 =	vadd.s32 v1, v4;
	_ =	sdelay $0x3  }
0x7f: {  	s0 =	rddreg [dreg:$0x19];
	v3 =	vperm.xlane v3, v2  }
0x80: {  	[tilespmem:s0], [sflag:$0x1] =	stream.indirect_vreg.gather [hbm4b:s2+s3], $0x80, v4, vm0, $0xb8;
	[tilespmem:$0x1E100] =	vst v63  }
0x81: {  	s11 =	rddreg [dreg:$0x1a];
	v3 =	vadd.s32 v1, v3  }
0x82: {  	[tilespmem:s11], [sflag:$0x1] =	stream.indirect_vreg.gather [hbm4b:s5+s3], $0x80, v4, vm0, $0xb8;
	[tilespmem:$0x1E100] =	vst v63  }
0x83: {  	s0 =	rddreg [dreg:$0x1b]  }
0x84: {  	[tilespmem:s0], [sflag:$0x1] =	stream.indirect_vreg.gather [hbm4b:s6+s3], $0x80, v4, vm0, $0xb8;
	[tilespmem:$0x1E100] =	vst v63  }
0x85: {  	s11 =	rddreg [dreg:$0x1c]  }
0x86: {  	[tilespmem:s11], [sflag:$0x1] =	stream.indirect_vreg.gather [hbm4b:s2+s3], $0x80, v3, vm0, $0xb8;
	[tilespmem:$0x1E100] =	vst v63  }
0x87: {  	s0 =	rddreg [dreg:$0x1d]  }
0x88: {  	[tilespmem:s0], [sflag:$0x1] =	stream.indirect_vreg.gather [hbm4b:s5+s3], $0x80, v3, vm0, $0xb8;
	[tilespmem:$0x1E100] =	vst v63  }
0x89: {  	s11 =	rddreg [dreg:$0x1e]  }
0x8a: {  	[tilespmem:s11], [sflag:$0x1] =	stream.indirect_vreg.gather [hbm4b:s6+s3], $0x80, v3, vm0, $0xb8;
	[tilespmem:$0x1E100] =	vst v63  }
0x8b: {  	v3 =	vld [tilespmem:$0x40];
	_ =	sdelay $0x4  }
0x8c: {  	v58 =	vshrl.u32 v3, $0x3  }
0x8d: {  	v4 =	vmul.u32 $0x30, v58  }
0x8e: {  	v3 =	vand.u32 $0x7, v3  }
0x8f: {  	v3 =	vor.u32 v3, v4  }
0x90: {  	v4 =	vperm.xlane v3, v0;
	_ =	sdelay $0x1  }
0x91: {  	v4 =	vadd.s32 v1, v4;
	_ =	sdelay $0x2  }
0x92: {  	s0 =	rddreg [dreg:$0x1f]  }
0x93: {  	s11 =	sld [smem:$0x7EF];
	v3 =	vperm.xlane v3, v2  }
0x94: {  	[tilespmem:s0], [sflag:$0x1] =	stream.indirect_vreg.gather [hbm4b:s2+s3], $0x80, v4, vm0, $0xb8;
	[tilespmem:$0x1E100] =	vst v63  }
0x95: {  	v3 =	vadd.s32 v1, v3;
	s0 =	sld [smem:$0x7F0]  }
0x96: {  	[tilespmem:s11], [sflag:$0x1] =	stream.indirect_vreg.gather [hbm4b:s5+s3], $0x80, v4, vm0, $0xb8;
	[tilespmem:$0x1E100] =	vst v63  }
0x97: {  	s11 =	sld [smem:$0x7F1]  }
0x98: {  	[tilespmem:s0], [sflag:$0x1] =	stream.indirect_vreg.gather [hbm4b:s6+s3], $0x80, v4, vm0, $0xb8;
	[tilespmem:$0x1E100] =	vst v63  }
0x99: {  	s0 =	sld [smem:$0x7F2]  }
0x9a: {  	[tilespmem:s11], [sflag:$0x1] =	stream.indirect_vreg.gather [hbm4b:s2+s3], $0x80, v3, vm0, $0xb8;
	[tilespmem:$0x1E100] =	vst v63  }
0x9b: {  	s11 =	sld [smem:$0x7F3]  }
0x9c: {  	[tilespmem:s0], [sflag:$0x1] =	stream.indirect_vreg.gather [hbm4b:s5+s3], $0x80, v3, vm0, $0xb8;
	[tilespmem:$0x1E100] =	vst v63  }
0x9d: {  	_ = 	snop  }
0x9e: {  	[tilespmem:s11], [sflag:$0x1] =	stream.indirect_vreg.gather [hbm4b:s6+s3], $0x80, v3, vm0, $0xb8;
	[tilespmem:$0x1E100] =	vst v63  }
0x9f: {  	v3 =	vld [tilespmem:$0x80];
	_ =	sdelay $0x4  }
0xa0: {  	v59 =	vshrl.u32 v3, $0x3  }
0xa1: {  	v4 =	vmul.u32 $0x30, v59  }
0xa2: {  	v3 =	vand.u32 $0x7, v3  }
0xa3: {  	v3 =	vor.u32 v3, v4  }
0xa4: {  	v4 =	vperm.xlane v3, v0;
	_ =	sdelay $0x1  }
0xa5: {  	v4 =	vadd.s32 v1, v4;
	_ =	sdelay $0x3  }
0xa6: {  	s0 =	sld [smem:$0x7F4];
	v3 =	vperm.xlane v3, v2  }
0xa7: {  	[tilespmem:s10], [sflag:$0x2] =	stream.indirect_vreg.gather [hbm4b:s2+s3], $0x80, v4, vm0, $0xb8;
	[tilespmem:$0x1E100] =	vst v63  }
0xa8: {  	s11 =	sld [smem:$0x7F5];
	v3 =	vadd.s32 v1, v3  }
0xa9: {  	[tilespmem:s0], [sflag:$0x2] =	stream.indirect_vreg.gather [hbm4b:s5+s3], $0x80, v4, vm0, $0xb8;
	[tilespmem:$0x1E100] =	vst v63  }
0xaa: {  	s0 =	sld [smem:$0x7F6]  }
0xab: {  	[tilespmem:s11], [sflag:$0x2] =	stream.indirect_vreg.gather [hbm4b:s6+s3], $0x80, v4, vm0, $0xb8;
	[tilespmem:$0x1E100] =	vst v63  }
0xac: {  	s11 =	sld [smem:$0x7F7]  }
0xad: {  	[tilespmem:s0], [sflag:$0x2] =	stream.indirect_vreg.gather [hbm4b:s2+s3], $0x80, v3, vm0, $0xb8;
	[tilespmem:$0x1E100] =	vst v63  }
0xae: {  	s0 =	sld [smem:$0x7F8]  }
0xaf: {  	[tilespmem:s11], [sflag:$0x2] =	stream.indirect_vreg.gather [hbm4b:s5+s3], $0x80, v3, vm0, $0xb8;
	[tilespmem:$0x1E100] =	vst v63  }
0xb0: {  	_ = 	snop  }
0xb1: {  	[tilespmem:s0], [sflag:$0x2] =	stream.indirect_vreg.gather [hbm4b:s6+s3], $0x80, v3, vm0, $0xb8;
	[tilespmem:$0x1E100] =	vst v63  }
0xb2: {  	v3 =	vld [tilespmem:$0x90];
	_ =	sdelay $0x4  }
0xb3: {  	v60 =	vshrl.u32 v3, $0x3  }
0xb4: {  	v4 =	vmul.u32 $0x30, v60  }
0xb5: {  	v3 =	vand.u32 $0x7, v3  }
0xb6: {  	v3 =	vor.u32 v3, v4  }
0xb7: {  	v4 =	vperm.xlane v3, v0;
	_ =	sdelay $0x1  }
0xb8: {  	v4 =	vadd.s32 v1, v4;
	_ =	sdelay $0x1  }
0xb9: {  	s0 =	sld [smem:$0x7F9];
	_ =	sdelay $0x1  }
0xba: {  	s11 =	sld [smem:$0x7FA];
	v3 =	vperm.xlane v3, v2  }
0xbb: {  	[tilespmem:s0], [sflag:$0x2] =	stream.indirect_vreg.gather [hbm4b:s2+s3], $0x80, v4, vm0, $0xb8;
	[tilespmem:$0x1E100] =	vst v63  }
0xbc: {  	v3 =	vadd.s32 v1, v3;
	s0 =	sld [smem:$0x7FB]  }
0xbd: {  	[tilespmem:s11], [sflag:$0x2] =	stream.indirect_vreg.gather [hbm4b:s5+s3], $0x80, v4, vm0, $0xb8;
	[tilespmem:$0x1E100] =	vst v63  }
0xbe: {  	s11 =	sld [smem:$0x7FC]  }
0xbf: {  	[tilespmem:s0], [sflag:$0x2] =	stream.indirect_vreg.gather [hbm4b:s6+s3], $0x80, v4, vm0, $0xb8;
	[tilespmem:$0x1E100] =	vst v63  }
0xc0: {  	s0 =	sld [smem:$0x7FD]  }
0xc1: {  	[tilespmem:s11], [sflag:$0x2] =	stream.indirect_vreg.gather [hbm4b:s2+s3], $0x80, v3, vm0, $0xb8;
	[tilespmem:$0x1E100] =	vst v63  }
0xc2: {  	_ = 	snop  }
0xc3: {  	[tilespmem:s0], [sflag:$0x2] =	stream.indirect_vreg.gather [hbm4b:s5+s3], $0x80, v3, vm0, $0xb8;
	[tilespmem:$0x1E100] =	vst v63  }
0xc4: {  	s11 =	simm.s32 $0x14900  }
0xc5: {  	[tilespmem:s11], [sflag:$0x2] =	stream.indirect_vreg.gather [hbm4b:s6+s3], $0x80, v3, vm0, $0xb8;
	[tilespmem:$0x1E100] =	vst v63  }
0xc6: {  	v3 =	vld [tilespmem:$0xA0];
	_ =	sdelay $0x4  }
0xc7: {  	v61 =	vshrl.u32 v3, $0x3  }
0xc8: {  	v4 =	vmul.u32 $0x30, v61  }
0xc9: {  	v3 =	vand.u32 $0x7, v3  }
0xca: {  	v3 =	vor.u32 v3, v4  }
0xcb: {  	v4 =	vperm.xlane v3, v0;
	_ =	sdelay $0x1  }
0xcc: {  	v4 =	vadd.s32 v1, v4;
	_ =	sdelay $0x3  }
0xcd: {  	v3 =	vperm.xlane v3, v2  }
0xce: {  	[tilespmem:s12], [sflag:$0x2] =	stream.indirect_vreg.gather [hbm4b:s2+s3], $0x80, v4, vm0, $0xb8;
	[tilespmem:$0x1E100] =	vst v63  }
0xcf: {  	v3 =	vadd.s32 v1, v3  }
0xd0: {  	[tilespmem:s13], [sflag:$0x2] =	stream.indirect_vreg.gather [hbm4b:s5+s3], $0x80, v4, vm0, $0xb8;
	[tilespmem:$0x1E100] =	vst v63  }
0xd1: {  	_ = 	snop  }
0xd2: {  	[tilespmem:s14], [sflag:$0x2] =	stream.indirect_vreg.gather [hbm4b:s6+s3], $0x80, v4, vm0, $0xb8;
	[tilespmem:$0x1E100] =	vst v63  }
0xd3: {  	_ = 	snop  }
0xd4: {  	[tilespmem:s15], [sflag:$0x2] =	stream.indirect_vreg.gather [hbm4b:s2+s3], $0x80, v3, vm0, $0xb8;
	[tilespmem:$0x1E100] =	vst v63  }
0xd5: {  	_ = 	snop  }
0xd6: {  	[tilespmem:s16], [sflag:$0x2] =	stream.indirect_vreg.gather [hbm4b:s5+s3], $0x80, v3, vm0, $0xb8;
	[tilespmem:$0x1E100] =	vst v63  }
0xd7: {  	_ = 	snop  }
0xd8: {  	[tilespmem:s17], [sflag:$0x2] =	stream.indirect_vreg.gather [hbm4b:s6+s3], $0x80, v3, vm0, $0xb8;
	[tilespmem:$0x1E100] =	vst v63  }
0xd9: {  	v3 =	vld [tilespmem:$0xB0];
	_ =	sdelay $0x4  }
0xda: {  	v62 =	vshrl.u32 v3, $0x3  }
0xdb: {  	v4 =	vmul.u32 $0x30, v62  }
0xdc: {  	v3 =	vand.u32 $0x7, v3  }
0xdd: {  	v3 =	vor.u32 v3, v4  }
0xde: {  	v4 =	vperm.xlane v3, v0;
	_ =	sdelay $0x1  }
0xdf: {  	v4 =	vadd.s32 v1, v4;
	_ =	sdelay $0x3  }
0xe0: {  	v3 =	vperm.xlane v3, v2  }
0xe1: {  	[tilespmem:s18], [sflag:$0x2] =	stream.indirect_vreg.gather [hbm4b:s2+s3], $0x80, v4, vm0, $0xb8;
	[tilespmem:$0x1E100] =	vst v63  }
0xe2: {  	v3 =	vadd.s32 v1, v3  }
0xe3: {  	[tilespmem:s19], [sflag:$0x2] =	stream.indirect_vreg.gather [hbm4b:s5+s3], $0x80, v4, vm0, $0xb8;
	[tilespmem:$0x1E100] =	vst v63  }
0xe4: {  	_ = 	snop  }
0xe5: {  	[tilespmem:s20], [sflag:$0x2] =	stream.indirect_vreg.gather [hbm4b:s6+s3], $0x80, v4, vm0, $0xb8;
	[tilespmem:$0x1E100] =	vst v63  }
0xe6: {  	_ = 	snop  }
0xe7: {  	[tilespmem:s21], [sflag:$0x2] =	stream.indirect_vreg.gather [hbm4b:s2+s3], $0x80, v3, vm0, $0xb8;
	[tilespmem:$0x1E100] =	vst v63  }
0xe8: {  	_ = 	snop  }
0xe9: {  	[tilespmem:s22], [sflag:$0x2] =	stream.indirect_vreg.gather [hbm4b:s5+s3], $0x80, v3, vm0, $0xb8;
	[tilespmem:$0x1E100] =	vst v63  }
0xea: {  	_ = 	snop  }
0xeb: {  	[tilespmem:s23], [sflag:$0x2] =	stream.indirect_vreg.gather [hbm4b:s6+s3], $0x80, v3, vm0, $0xb8;
	[tilespmem:$0x1E100] =	vst v63  }
0xec: {  	v3 =	vld [tilespmem:$0xC0];
	_ =	sdelay $0x4  }
0xed: {  	v63 =	vshrl.u32 v3, $0x3  }
0xee: {  	v4 =	vmul.u32 $0x30, v63  }
0xef: {  	v3 =	vand.u32 $0x7, v3  }
0xf0: {  	v3 =	vor.u32 v3, v4  }
0xf1: {  	v4 =	vperm.xlane v3, v0;
	_ =	sdelay $0x1  }
0xf2: {  	v4 =	vadd.s32 v1, v4;
	_ =	sdelay $0x3  }
0xf3: {  	v3 =	vperm.xlane v3, v2  }
0xf4: {  	[tilespmem:s24], [sflag:$0x2] =	stream.indirect_vreg.gather [hbm4b:s2+s3], $0x80, v4, vm0, $0xb8;
	[tilespmem:$0x1E100] =	vst v63  }
0xf5: {  	v3 =	vadd.s32 v1, v3  }
0xf6: {  	[tilespmem:s25], [sflag:$0x2] =	stream.indirect_vreg.gather [hbm4b:s5+s3], $0x80, v4, vm0, $0xb8;
	[tilespmem:$0x1E100] =	vst v63  }
0xf7: {  	_ = 	snop  }
0xf8: {  	[tilespmem:s26], [sflag:$0x2] =	stream.indirect_vreg.gather [hbm4b:s6+s3], $0x80, v4, vm0, $0xb8;
	[tilespmem:$0x1E100] =	vst v63  }
0xf9: {  	_ = 	snop  }
0xfa: {  	[tilespmem:s28], [sflag:$0x2] =	stream.indirect_vreg.gather [hbm4b:s2+s3], $0x80, v3, vm0, $0xb8;
	[tilespmem:$0x1E100] =	vst v63  }
0xfb: {  	_ = 	snop  }
0xfc: {  	[tilespmem:s29], [sflag:$0x2] =	stream.indirect_vreg.gather [hbm4b:s5+s3], $0x80, v3, vm0, $0xb8;
	[tilespmem:$0x1E100] =	vst v63  }
0xfd: {  	_ = 	snop  }
0xfe: {  	[tilespmem:s30], [sflag:$0x2] =	stream.indirect_vreg.gather [hbm4b:s6+s3], $0x80, v3, vm0, $0xb8;
	[tilespmem:$0x1E100] =	vst v63  }
0xff: {  	_ =	swait.ge [sflag:s31], $0xF000  }
0x100: {  	[sflag:s31] =	ssyncset.done $0x0  }
0x101: {  	s11 =	rddreg [dreg:$0x5];
	[sflag:s31] =	ssyncadd.s32 $0xFFFF1000  }
0x102: {  	[hbm4b:s11+s3] =	stream.linear.scatter [tilespmem:s9], [sflag:$0x3], $0xF000, $0x38;
	[tilespmem:$0x1E100] =	vst v63  }
0x103: {  	_ =	swait.ge [sflag:s8], $0xF000  }
0x104: {  	[sflag:s8] =	ssyncset.done $0x0  }
0x105: {  	[sflag:s8] =	ssyncadd.s32 $0xFFFF1000  }
0x106: {  	_ =	swait.ge [sflag:s1], $0xF000  }
0x107: {  	p0 =	sne.s32 s7, $0x1;
	[sflag:s1] =	ssyncset.done $0x0  }
.Ltmp0:
0x108: {  	s11 =	rddreg [dreg:$0x6];
	[sflag:s1] =	ssyncadd.s32 $0xFFFF1000;
	(pc) =	sbr.rel @p0 .LBB2_1-.Ltmp0, $4  }
0x109: {  	[hbm4b:s11+s3] =	stream.linear.scatter [tilespmem:s10], [sflag:$0x3], $0xF000, $0x38;
	[tilespmem:$0x1E100] =	vst v63  }
0x10a: {  	_ =	swait.ge [sflag:s8], $0xF000  }
0x10b: {  	[sflag:s8] =	ssyncset.done $0x0  }
0x10c: {  	s7 =	sadd.s32 $0xFFFFFFFF, s7;
	[sflag:s8] =	ssyncadd.s32 $0xFFFF1000  }
0x10d: {  	_ =	sfence.sel $0x180000  }
0x10e: {  	[bflag:$0x0] =	sbarrier.arrive $0xFFFF  }
0x10f: {  	_ =	strace $0x90000047  }
0x110: {  	s0 =	stileid.u32;
	[bflag:$0x2] =	sbarrier.arrive $0xFFFF  }
0x111: {  	p0 =	sne.s32 s0, $0x0;
	s0 =	rddreg [dreg:$0x3]  }
0x112: {  	s0 =	sadd.s32 @!p0 $0x100000, s0  }
0x113: {  	[sflag:s0] =	ssyncadd.tile.s32 @!p0 $0x1;
	_ =	shalt  }
.Lfunc_end2:
_tile_overlayer_lowered:
.L_overlay_start_2:
0x114: {  	(tag) =	ssettag $0x2  }
0x115: {  	s0 =	rddreg [dreg:$0x0];
	s2 =	stileid.u32  }
0x116: {  	s1 =	rddreg [dreg:$0x1];
	p0 =	sne.s32 s2, $0x0  }
0x117: {  	s3 =	rddreg [dreg:$0x2];
	[bflag:$0x3] =	sbarrier.arrive $0xFFFF;
	s2 =	simm.s32 @!p0 $0x1C03  }
0x118: {  	[timem:s3], [sflag:s2] =	dma.local @!p0 [hbm:s0], s1  }
0x119: {  	s0 =	simm.s32 @!p0 $0x3  }
0x11a: {  	_ =	swait.ge @!p0 [sflag:s0], s1  }
0x11b: {  	s1 =	ssub.s32 @!p0 $0x0, s1;
	[sflag:s0] =	ssyncset.done @!p0 $0x0  }
0x11c: {  	[sflag:s0] =	ssyncadd.s32 @!p0 s1  }
0x11d: {  	[bflag:$0x3] =	sbarrier.arrive $0xFFFF  }
0x11e: {  	_ =	shalt  }

</sc_bundles>
